<compile_context>
chip_gen: v7x
topology: tpu7x:2x2x1
jax: 0.10.2.dev20260603
libtpu: 0.0.44.dev20260713+nightly
codegen_flags: <defaults>
</compile_context>

<pallas_src>
import functools

import jax
import jax.numpy as jnp
from jax import lax
from jax.experimental import pallas as pl
from jax.experimental.pallas import tpu as pltpu
from jax.experimental.pallas import tpu_sc as plsc

N = 10000
E = 320000
F_IN = 16
F_OUT = 16
EPS = 1e-5

TE = 8000
GRID = E // TE
TEB = 16000
GRIDB = E // TEB

NC = 2
NS = 16
NW = NC * NS
PER_W = E // NW
SCCH = 2000
NCHUNK = PER_W // SCCH

_ARB = pltpu.CompilerParams(dimension_semantics=("arbitrary",))



def _colsum(z):
    ones_row = jnp.ones((1, z.shape[0]), jnp.float32)
    return jnp.dot(ones_row, z, preferred_element_type=jnp.float32)


def _acc_stats(i, z, s_ref, q_ref):
    ps = _colsum(z)
    pq = _colsum(z * z)

    @pl.when(i == 0)
    def _():
        s_ref[...] = ps
        q_ref[...] = pq

    @pl.when(i > 0)
    def _():
        s_ref[...] = s_ref[...] + ps
        q_ref[...] = q_ref[...] + pq


def _bn_relu(z, s_ref, q_ref, g_ref, be_ref):
    m = s_ref[...] * (1.0 / E)
    v = q_ref[...] * (1.0 / E) - m * m
    a = g_ref[...] * lax.rsqrt(v + EPS)
    c = be_ref[...] - m * a
    return jnp.maximum(z * a + c, 0.0)


def _lin(h, wt_ref, b_ref):
    return jnp.dot(h, wt_ref[...], preferred_element_type=jnp.float32) + b_ref[...]


def _lin16(h, wt_ref, b_ref):
    return jnp.dot(h.astype(jnp.bfloat16), wt_ref[...],
                   preferred_element_type=jnp.float32) + b_ref[...]


def _h0_of(ef_ref, w0t_ref, b0_ref, ms_ref, m2_ref, g0_ref, be0_ref):
    z0 = lax.dot_general(ef_ref[...], w0t_ref[...],
                         (((0,), (0,)), ((), ())),
                         preferred_element_type=jnp.float32) + b0_ref[...]
    inv_e = 1.0 / E
    mu = [ms_ref[j, 0] * inv_e for j in range(3)]
    wrow = [w0t_ref[j:j + 1, :] for j in range(3)]
    m0 = mu[0] * wrow[0] + mu[1] * wrow[1] + mu[2] * wrow[2] + b0_ref[...]
    var = jnp.zeros_like(m0)
    for j in range(3):
        for k in range(3):
            cjk = m2_ref[j, k] * inv_e - mu[j] * mu[k]
            var = var + cjk * (wrow[j] * wrow[k])
    a0 = g0_ref[...] * lax.rsqrt(var + EPS)
    c0 = be0_ref[...] - m0 * a0
    return jnp.maximum(z0 * a0 + c0, 0.0)


def _moments_body(f_ref, ms_ref, m2_ref):
    e = f_ref[...]
    ones_col = jnp.ones((1, E), jnp.float32)
    ms_ref[...] = lax.dot_general(e, ones_col, (((1,), (1,)), ((), ())),
                                  preferred_element_type=jnp.float32)
    m2_ref[...] = lax.dot_general(e, e, (((1,), (1,)), ((), ())),
                                  preferred_element_type=jnp.float32)


def _p1_body(ef_ref, w0t_ref, b0_ref, ms_ref, m2_ref, g0_ref, be0_ref,
             w1t_ref, b1_ref,
             z1_ref, s1_ref, q1_ref):
    i = pl.program_id(0)
    h0 = _h0_of(ef_ref, w0t_ref, b0_ref, ms_ref, m2_ref, g0_ref, be0_ref)
    z1 = _lin(h0, w1t_ref, b1_ref)
    z1_ref[...] = z1.astype(jnp.bfloat16)
    _acc_stats(i, z1, s1_ref, q1_ref)


def _mid_body(z_ref, s_ref, q_ref, g_ref, be_ref, wt_ref, b_ref,
              zo_ref, so_ref, qo_ref):
    i = pl.program_id(0)
    h = _bn_relu(z_ref[...].astype(jnp.float32), s_ref, q_ref, g_ref, be_ref)
    z = _lin(h, wt_ref, b_ref)
    zo_ref[...] = z.astype(jnp.bfloat16)
    _acc_stats(i, z, so_ref, qo_ref)


def _p4_body(z3_ref, s3_ref, q3_ref, g3_ref, be3_ref,
             wft_ref, bf_ref, x_ref,
             msg_ref):
    h3 = _bn_relu(z3_ref[...].astype(jnp.float32),
                  s3_ref, q3_ref, g3_ref, be3_ref)
    wv = jax.nn.sigmoid(_lin(h3, wft_ref, bf_ref))
    x = x_ref[...]
    li = lax.broadcasted_iota(jnp.int32, (F_IN, F_IN * F_OUT), 1)
    ri = lax.broadcasted_iota(jnp.int32, (F_IN, F_IN * F_OUT), 0)
    rmat = (li // F_OUT == ri).astype(jnp.float32)
    si = lax.broadcasted_iota(jnp.int32, (F_IN * F_OUT, F_OUT), 0)
    oi = lax.broadcasted_iota(jnp.int32, (F_IN * F_OUT, F_OUT), 1)
    smat = (si % F_OUT == oi).astype(jnp.float32)
    xrep = jnp.dot(x, rmat, preferred_element_type=jnp.float32)
    msg_ref[...] = jnp.dot(xrep * wv, smat,
                           preferred_element_type=jnp.float32)


def _epi_body(p_ref, d_ref, bias_ref, out_ref):
    p = p_ref[...]
    d = d_ref[...]
    deg = jnp.maximum(d[0] + d[1], 1.0)
    out_ref[...] = (p[0] + p[1]) / deg + bias_ref[...]


def _row(x):
    return x.reshape(1, -1)


def _const_spec(x):
    shape = x.shape
    return pl.BlockSpec(shape, lambda i: (0,) * len(shape))


_EF_SPEC = pl.BlockSpec((TE, 3), lambda i: (i, 0))


def _moments(ef_t):
    return pl.pallas_call(
        _moments_body,
        out_shape=[jax.ShapeDtypeStruct((3, 1), jnp.float32),
                   jax.ShapeDtypeStruct((3, 3), jnp.float32)],
    )(ef_t)


def _layer1(ef_t, consts):
    return pl.pallas_call(
        _p1_body,
        grid=(GRIDB,),
        in_specs=[pl.BlockSpec((3, TEB), lambda i: (0, i))]
        + [_const_spec(c) for c in consts],
        out_specs=[pl.BlockSpec((TEB, 128), lambda i: (i, 0)),
                   pl.BlockSpec((1, 128), lambda i: (0, 0)),
                   pl.BlockSpec((1, 128), lambda i: (0, 0))],
        out_shape=[jax.ShapeDtypeStruct((E, 128), jnp.bfloat16),
                   jax.ShapeDtypeStruct((1, 128), jnp.float32),
                   jax.ShapeDtypeStruct((1, 128), jnp.float32)],
        compiler_params=_ARB,
    )(ef_t, *consts)


def _mid(z, consts, cin, cout):
    return pl.pallas_call(
        _mid_body,
        grid=(GRIDB,),
        in_specs=[pl.BlockSpec((TEB, cin), lambda i: (i, 0))]
        + [_const_spec(c) for c in consts],
        out_specs=[pl.BlockSpec((TEB, cout), lambda i: (i, 0)),
                   pl.BlockSpec((1, cout), lambda i: (0, 0)),
                   pl.BlockSpec((1, cout), lambda i: (0, 0))],
        out_shape=[jax.ShapeDtypeStruct((E, cout), jnp.bfloat16),
                   jax.ShapeDtypeStruct((1, cout), jnp.float32),
                   jax.ShapeDtypeStruct((1, cout), jnp.float32)],
        compiler_params=_ARB,
    )(z, *consts)


def _final_call(z3, consts, x_src):
    return pl.pallas_call(
        _p4_body,
        grid=(GRID,),
        in_specs=[pl.BlockSpec((TE, 32), lambda i: (i, 0))]
        + [_const_spec(c) for c in consts]
        + [pl.BlockSpec((TE, F_IN), lambda i: (i, 0))],
        out_specs=pl.BlockSpec((TE, F_OUT), lambda i: (i, 0)),
        out_shape=jax.ShapeDtypeStruct((E, F_OUT), jnp.float32),
        compiler_params=_ARB,
    )(z3, *consts, x_src)


def _epilogue(p2, d2, bias8):
    return pl.pallas_call(
        _epi_body,
        out_shape=jax.ShapeDtypeStruct((N // 8, 128), jnp.float32),
    )(p2, d2, bias8)



@functools.lru_cache(maxsize=None)
def _sc_kernels():
    mesh = plsc.VectorSubcoreMesh(core_axis_name="c", subcore_axis_name="s")

    @functools.partial(
        pl.kernel,
        mesh=mesh,
        out_type=jax.ShapeDtypeStruct((E, F_IN), jnp.float32),
        scratch_types=[pltpu.VMEM((SCCH,), jnp.int32),
                       pltpu.VMEM((SCCH, F_IN), jnp.float32),
                       pltpu.SemaphoreType.DMA],
        compiler_params=pltpu.CompilerParams(use_tc_tiling_on_sc=False),
    )
    def gather(nfeat_hbm, src_hbm, out_hbm, idx_v, rows_v, sem):
        wid = lax.axis_index("s") * NC + lax.axis_index("c")
        base = wid * PER_W

        def body(j, carry):
            off = base + j * SCCH
            pltpu.sync_copy(src_hbm.at[pl.ds(off, SCCH)], idx_v)
            pltpu.async_copy(nfeat_hbm.at[idx_v], rows_v, sem).wait()
            pltpu.sync_copy(rows_v, out_hbm.at[pl.ds(off, SCCH)])
            return carry

        lax.fori_loop(0, NCHUNK, body, 0)

    @functools.partial(
        pl.kernel,
        mesh=mesh,
        out_type=[jax.ShapeDtypeStruct((NC, N, F_OUT), jnp.float32),
                  jax.ShapeDtypeStruct((NC, N, F_OUT), jnp.float32)],
        scratch_types=[pltpu.VMEM((SCCH,), jnp.int32),
                       pltpu.VMEM((SCCH, F_OUT), jnp.float32),
                       pltpu.VMEM((SCCH, F_OUT), jnp.float32),
                       pltpu.VMEM_SHARED((N, F_OUT), jnp.float32),
                       pltpu.VMEM_SHARED((N, F_OUT), jnp.float32)],
        compiler_params=pltpu.CompilerParams(use_tc_tiling_on_sc=False),
    )
    def scatter(msg_hbm, dst_hbm, zeros_hbm, ones_hbm,
                neigh_out, deg_out, idx_v, m_v, ones_v, acc_sh, deg_sh):
        c = lax.axis_index("c")
        s = lax.axis_index("s")
        wid = s * NC + c
        base = wid * PER_W

        @pl.when(s == 0)
        def _():
            pltpu.sync_copy(zeros_hbm, acc_sh)
            pltpu.sync_copy(zeros_hbm, deg_sh)

        pltpu.sync_copy(ones_hbm, ones_v)
        plsc.subcore_barrier()

        def body(j, carry):
            off = base + j * SCCH
            pltpu.sync_copy(dst_hbm.at[pl.ds(off, SCCH)], idx_v)
            pltpu.sync_copy(msg_hbm.at[pl.ds(off, SCCH)], m_v)
            pltpu.sync_copy(m_v, acc_sh.at[idx_v], add=True)
            pltpu.sync_copy(ones_v, deg_sh.at[idx_v], add=True)
            return carry

        lax.fori_loop(0, NCHUNK, body, 0)
        plsc.subcore_barrier()

        @pl.when(s == 0)
        def _():
            pltpu.sync_copy(acc_sh, neigh_out.at[c])
            pltpu.sync_copy(deg_sh, deg_out.at[c])

    return gather, scatter


def _sc_gather(nfeat, src):
    return _sc_kernels()[0](nfeat, src)


def _sc_scatter(msg, dst, zeros, ones):
    return _sc_kernels()[1](msg, dst, zeros, ones)



def kernel(nfeat, edge_index, efeat,
           W0, b0, g0, be0,
           W1, b1, g1, be1,
           W2, b2, g2, be2,
           W3, b3, g3, be3,
           Wf, bf, bias):
    src = edge_index[0]
    dst = edge_index[1]

    ef_t = lax.optimization_barrier(efeat.T)
    ms, m2 = _moments(ef_t)
    x_src = _sc_gather(nfeat, src)

    c1 = [W0.T, _row(b0), ms, m2, _row(g0), _row(be0),
          W1.T, _row(b1)]
    z1, s1, q1 = _layer1(ef_t, c1)
    z2, s2, q2 = _mid(z1, [s1, q1, _row(g1), _row(be1),
                           W2.T, _row(b2)], 128, 64)
    z3, s3, q3 = _mid(z2, [s2, q2, _row(g2), _row(be2),
                           W3.T, _row(b3)], 64, 32)
    msg = _final_call(z3, [s3, q3, _row(g3), _row(be3),
                           Wf.T, _row(bf)], x_src)

    zeros = jnp.zeros((N, F_OUT), jnp.float32)
    ones = jnp.ones((SCCH, F_OUT), jnp.float32)
    part, degp = _sc_scatter(msg, dst, zeros, ones)

    p2 = part.reshape(NC, N // 8, 128)
    d2 = degp.reshape(NC, N // 8, 128)
    bias8 = jnp.tile(bias, 8).reshape(1, 128)
    out = _epilogue(p2, d2, bias8)
    return out.reshape(N, F_OUT)

# --- scband reference (transcript-rebuilt; emitter-appended) ---
"""Pipeline reference for scband-nnconv-handy-79087527789129 (READ-ONLY COPY).

The authoritative reference and input builder live on the scoring server;
editing this copy changes nothing except your own understanding.
"""

import jax, jax.numpy as jnp
import numpy as np

N = 10000
E = 320000
IN_FEATS = 16
OUT_FEATS = 16
CH = [256, 128, 64, 32]


def setup_inputs(seed: int = 0) -> dict:
    key = jax.random.key(seed)
    ks = jax.random.split(key, 16)
    inp = {}
    inp["nfeat"] = jax.random.normal(ks[0], (N, IN_FEATS), dtype=jnp.float32)
    inp["edge_index"] = jax.random.randint(ks[1], (2, E), 0, N, dtype=jnp.int32)
    inp["efeat"] = jax.random.uniform(ks[2], (E, 3), dtype=jnp.float32)
    # MLP edge_func parameters: blocks Linear->Dropout->BatchNorm1d->ReLU over [3]+CH,
    # then final Linear(CH[-1], IN_FEATS*OUT_FEATS) + Sigmoid.
    dims = [3] + CH
    for i in range(len(CH)):
        fan_in = dims[i]
        inp[f"W{i}"] = jax.random.normal(ks[3 + i], (CH[i], fan_in), dtype=jnp.float32) / np.sqrt(fan_in)
        inp[f"b{i}"] = jnp.zeros((CH[i],), dtype=jnp.float32)
        inp[f"g{i}"] = jnp.ones((CH[i],), dtype=jnp.float32)
        inp[f"be{i}"] = jnp.zeros((CH[i],), dtype=jnp.float32)
    inp["Wf"] = jax.random.normal(ks[8], (IN_FEATS * OUT_FEATS, CH[-1]), dtype=jnp.float32) / np.sqrt(CH[-1])
    inp["bf"] = jnp.zeros((IN_FEATS * OUT_FEATS,), dtype=jnp.float32)
    inp["bias"] = jnp.zeros((OUT_FEATS,), dtype=jnp.float32)
    return inp


def _bn(x, g, b):
    m = jnp.mean(x, axis=0)
    v = jnp.var(x, axis=0)
    return g * (x - m) / jnp.sqrt(v + 1e-5) + b


def _block(x, W, b, g, be):
    # Linear -> Dropout(identity in fwd reference) -> BatchNorm1d (batch stats) -> ReLU
    return jax.nn.relu(_bn(x @ W.T + b, g, be))


def reference(nfeat, edge_index, efeat,
              W0, b0, g0, be0,
              W1, b1, g1, be1,
              W2, b2, g2, be2,
              W3, b3, g3, be3,
              Wf, bf, bias):
    # edge_func MLP -> per-edge weight matrices [E, IN, OUT]
    h = _block(efeat, W0, b0, g0, be0)
    h = _block(h, W1, b1, g1, be1)
    h = _block(h, W2, b2, g2, be2)
    h = _block(h, W3, b3, g3, be3)
    w = jax.nn.sigmoid(h @ Wf.T + bf).reshape(-1, IN_FEATS, OUT_FEATS)
    src = edge_index[0]
    dst = edge_index[1]
    # NNConv message: (h_src.unsqueeze(-1) * W_e), mean-aggregated per dst, summed over in dim.
    # sum-over-in commutes with mean-over-edges, so compute per-edge [E, OUT] messages.
    msg = jnp.einsum('ei,eio->eo', jnp.take(nfeat, src, axis=0), w)
    neigh = jax.ops.segment_sum(msg, dst, num_segments=N)
    deg = jax.ops.segment_sum(jnp.ones((msg.shape[0],), dtype=msg.dtype), dst, num_segments=N)
    rst = neigh / jnp.maximum(deg, 1.0)[:, None] + bias
    return rst

if __name__ == "__main__":
    import jax
    _d = setup_inputs()
    print(jax.jit(kernel)(*tuple(_d.values())))

</pallas_src>

<mosaic_0001>
#map = affine_map<(d0, d1) -> (0, 0)>
#map1 = affine_map<(d0, d1) -> (0)>
module attributes {stable_mosaic.version = 14 : i64} {
  func.func @gather(%arg0: i32, %arg1: i32, %arg2: memref<10000x16xf32, #tpu.memory_space<hbm>>, %arg3: memref<320000xi32, #tpu.memory_space<hbm>>, %arg4: memref<320000x16xf32, #tpu.memory_space<hbm>>, %arg5: memref<2000xi32, #tpu.memory_space<vmem>>, %arg6: memref<2000x16xf32, #tpu.memory_space<vmem>>, %arg7: memref<!tpu.dma_semaphore, #tpu.memory_space<semaphore_mem>>) attributes {dimension_semantics = [#tpu.dimension_semantics<core_parallel>, #tpu.dimension_semantics<subcore_parallel>], iteration_bounds = array<i64: 2, 16>, scalar_prefetch = 0 : i64, scratch_operands = 3 : i64, tpu.core_type = #tpu.core_type<sc_vector_subcore>, window_params = [{transform_indices = #map}, {transform_indices = #map1}, {transform_indices = #map}]} {
    %mul3A = arith.constant 2 : i32
    %mul3A_0 = arith.muli %arg1, %mul3A : i32
    %add3A = arith.addi %mul3A_0, %arg0 : i32
    %mul3A_1 = arith.constant 10000 : i32
    %mul3A_2 = arith.muli %add3A, %mul3A_1 : i32
    %scan3A = arith.constant 0 : i32
    %scan3A_3 = arith.constant 0 : i32
    %scan3A_4 = arith.constant 5 : i32
    %scan3A_5 = arith.addi %scan3A_3, %scan3A_4 : i32
    %scan3A_6 = arith.constant 1 : i32
    scf.for %scan3A_8 = %scan3A_3 to %scan3A_5 step %scan3A_6  : i32 {
      %mul3A_9 = arith.constant 2000 : i32
      %mul3A_10 = arith.muli %scan3A_8, %mul3A_9 : i32
      %add3A_11 = arith.addi %mul3A_2, %mul3A_10 : i32
      "tpu.region"() ({
        %run_scoped3A = tpu.sem_alloc : memref<!tpu.dma_semaphore, #tpu.memory_space<semaphore_mem>>
        %dma_start3A_16 = tpu.memref_slice %arg3[%add3A_11] : memref<320000xi32, #tpu.memory_space<hbm>> -> memref<2000xi32, #tpu.memory_space<hbm>>
        %dma_start3A_17 = tpu.memref_slice %arg3[%add3A_11] : memref<320000xi32, #tpu.memory_space<hbm>> -> memref<2000xi32, #tpu.memory_space<hbm>>
        tpu.enqueue_dma source(%dma_start3A_17 : memref<2000xi32, #tpu.memory_space<hbm>>) target(%arg5 : memref<2000xi32, #tpu.memory_space<vmem>>) target_semaphore(%run_scoped3A : memref<!tpu.dma_semaphore, #tpu.memory_space<semaphore_mem>>)
        %dma_wait3A_18 = tpu.memref_slice %arg3[%add3A_11] : memref<320000xi32, #tpu.memory_space<hbm>> -> memref<2000xi32, #tpu.memory_space<hbm>>
        %dma_wait3A_19 = tpu.memref_slice %arg3[%add3A_11] : memref<320000xi32, #tpu.memory_space<hbm>> -> memref<2000xi32, #tpu.memory_space<hbm>>
        tpu.wait_dma2 semaphore(%run_scoped3A : memref<!tpu.dma_semaphore, #tpu.memory_space<semaphore_mem>>) src(%dma_wait3A_19 : memref<2000xi32, #tpu.memory_space<hbm>>) dst(%arg5 : memref<2000xi32, #tpu.memory_space<vmem>>)
        tpu.yield
      }) : () -> ()
      %dma_start3A = arith.constant 0 : i32
      %dma_start3A_12 = arith.constant 0 : i32
      %dma_start3A_13 = tpu.memref_slice %arg2[%dma_start3A, %dma_start3A_12] : memref<10000x16xf32, #tpu.memory_space<hbm>> -> memref<10000x16xf32, #tpu.memory_space<hbm>>
      tpu.enqueue_indirect_dma source(%dma_start3A_13 : memref<10000x16xf32, #tpu.memory_space<hbm>>) target(%arg6 : memref<2000x16xf32, #tpu.memory_space<vmem>>) offsets(%arg5 : memref<2000xi32, #tpu.memory_space<vmem>>) semaphore(%arg7 : memref<!tpu.dma_semaphore, #tpu.memory_space<semaphore_mem>>)
      %dma_wait3A = arith.constant 0 : i32
      %dma_wait3A_14 = arith.constant 0 : i32
      %dma_wait3A_15 = tpu.memref_slice %arg2[%dma_wait3A, %dma_wait3A_14] : memref<10000x16xf32, #tpu.memory_space<hbm>> -> memref<10000x16xf32, #tpu.memory_space<hbm>>
      tpu.wait_indirect_dma semaphore(%arg7 : memref<!tpu.dma_semaphore, #tpu.memory_space<semaphore_mem>>) src(%dma_wait3A_15 : memref<10000x16xf32, #tpu.memory_space<hbm>>) dst(%arg6 : memref<2000x16xf32, #tpu.memory_space<vmem>>)
      "tpu.region"() ({
        %run_scoped3A = tpu.sem_alloc : memref<!tpu.dma_semaphore, #tpu.memory_space<semaphore_mem>>
        %dma_start3A_16 = arith.constant 0 : i32
        %dma_start3A_17 = tpu.memref_slice %arg4[%add3A_11, %dma_start3A_16] : memref<320000x16xf32, #tpu.memory_space<hbm>> -> memref<2000x16xf32, #tpu.memory_space<hbm>>
        %dma_start3A_18 = arith.constant 0 : i32
        %dma_start3A_19 = tpu.memref_slice %arg4[%add3A_11, %dma_start3A_18] : memref<320000x16xf32, #tpu.memory_space<hbm>> -> memref<2000x16xf32, #tpu.memory_space<hbm>>
        tpu.enqueue_dma source(%arg6 : memref<2000x16xf32, #tpu.memory_space<vmem>>) target(%dma_start3A_19 : memref<2000x16xf32, #tpu.memory_space<hbm>>) target_semaphore(%run_scoped3A : memref<!tpu.dma_semaphore, #tpu.memory_space<semaphore_mem>>)
        %dma_wait3A_20 = arith.constant 0 : i32
        %dma_wait3A_21 = tpu.memref_slice %arg4[%add3A_11, %dma_wait3A_20] : memref<320000x16xf32, #tpu.memory_space<hbm>> -> memref<2000x16xf32, #tpu.memory_space<hbm>>
        %dma_wait3A_22 = arith.constant 0 : i32
        %dma_wait3A_23 = tpu.memref_slice %arg4[%add3A_11, %dma_wait3A_22] : memref<320000x16xf32, #tpu.memory_space<hbm>> -> memref<2000x16xf32, #tpu.memory_space<hbm>>
        tpu.wait_dma2 semaphore(%run_scoped3A : memref<!tpu.dma_semaphore, #tpu.memory_space<semaphore_mem>>) src(%arg6 : memref<2000x16xf32, #tpu.memory_space<vmem>>) dst(%dma_wait3A_23 : memref<2000x16xf32, #tpu.memory_space<hbm>>)
        tpu.yield
      }) : () -> ()
    }
    %scan3A_7 = arith.constant 5 : i32
    return
  }
}

#map = affine_map<(d0, d1) -> (0, 0)>
#map1 = affine_map<(d0, d1) -> (0)>
#map2 = affine_map<(d0, d1) -> (0, 0, 0)>
module attributes {stable_mosaic.version = 14 : i64} {
  func.func @scatter(%arg0: i32, %arg1: i32, %arg2: memref<320000x16xf32, #tpu.memory_space<hbm>>, %arg3: memref<320000xi32, #tpu.memory_space<hbm>>, %arg4: memref<10000x16xf32, #tpu.memory_space<hbm>>, %arg5: memref<2000x16xf32, #tpu.memory_space<hbm>>, %arg6: memref<2x10000x16xf32, #tpu.memory_space<hbm>>, %arg7: memref<2x10000x16xf32, #tpu.memory_space<hbm>>, %arg8: memref<2000xi32, #tpu.memory_space<vmem>>, %arg9: memref<2000x16xf32, #tpu.memory_space<vmem>>, %arg10: memref<2000x16xf32, #tpu.memory_space<vmem>>, %arg11: memref<10000x16xf32, #tpu.memory_space<vmem_shared>>, %arg12: memref<10000x16xf32, #tpu.memory_space<vmem_shared>>) attributes {dimension_semantics = [#tpu.dimension_semantics<core_parallel>, #tpu.dimension_semantics<subcore_parallel>], iteration_bounds = array<i64: 2, 16>, scalar_prefetch = 0 : i64, scratch_operands = 5 : i64, tpu.core_type = #tpu.core_type<sc_vector_subcore>, window_params = [{transform_indices = #map}, {transform_indices = #map1}, {transform_indices = #map}, {transform_indices = #map}, {transform_indices = #map2}, {transform_indices = #map2}]} {
    %mul3A = arith.constant 2 : i32
    %mul3A_0 = arith.muli %arg1, %mul3A : i32
    %add3A = arith.addi %mul3A_0, %arg0 : i32
    %mul3A_1 = arith.constant 10000 : i32
    %mul3A_2 = arith.muli %add3A, %mul3A_1 : i32
    %eq3A = arith.constant 0 : i32
    %eq3A_3 = arith.cmpi eq, %arg1, %eq3A : i32
    %convert_element_type3A = arith.extui %eq3A_3 : i1 to i32
    %cond3A = arith.constant 0 : i32
    %cond3A_4 = arith.cmpi ne, %convert_element_type3A, %cond3A : i32
    scf.if %cond3A_4 {
      "tpu.region"() ({
        %run_scoped3A = tpu.sem_alloc : memref<!tpu.dma_semaphore, #tpu.memory_space<semaphore_mem>>
        tpu.enqueue_dma source(%arg4 : memref<10000x16xf32, #tpu.memory_space<hbm>>) target(%arg11 : memref<10000x16xf32, #tpu.memory_space<vmem_shared>>) target_semaphore(%run_scoped3A : memref<!tpu.dma_semaphore, #tpu.memory_space<semaphore_mem>>)
        tpu.wait_dma2 semaphore(%run_scoped3A : memref<!tpu.dma_semaphore, #tpu.memory_space<semaphore_mem>>) src(%arg4 : memref<10000x16xf32, #tpu.memory_space<hbm>>) dst(%arg11 : memref<10000x16xf32, #tpu.memory_space<vmem_shared>>)
        tpu.yield
      }) : () -> ()
      "tpu.region"() ({
        %run_scoped3A = tpu.sem_alloc : memref<!tpu.dma_semaphore, #tpu.memory_space<semaphore_mem>>
        tpu.enqueue_dma source(%arg4 : memref<10000x16xf32, #tpu.memory_space<hbm>>) target(%arg12 : memref<10000x16xf32, #tpu.memory_space<vmem_shared>>) target_semaphore(%run_scoped3A : memref<!tpu.dma_semaphore, #tpu.memory_space<semaphore_mem>>)
        tpu.wait_dma2 semaphore(%run_scoped3A : memref<!tpu.dma_semaphore, #tpu.memory_space<semaphore_mem>>) src(%arg4 : memref<10000x16xf32, #tpu.memory_space<hbm>>) dst(%arg12 : memref<10000x16xf32, #tpu.memory_space<vmem_shared>>)
        tpu.yield
      }) : () -> ()
    } else {
    }
    "tpu.region"() ({
      %run_scoped3A = tpu.sem_alloc : memref<!tpu.dma_semaphore, #tpu.memory_space<semaphore_mem>>
      tpu.enqueue_dma source(%arg5 : memref<2000x16xf32, #tpu.memory_space<hbm>>) target(%arg10 : memref<2000x16xf32, #tpu.memory_space<vmem>>) target_semaphore(%run_scoped3A : memref<!tpu.dma_semaphore, #tpu.memory_space<semaphore_mem>>)
      tpu.wait_dma2 semaphore(%run_scoped3A : memref<!tpu.dma_semaphore, #tpu.memory_space<semaphore_mem>>) src(%arg5 : memref<2000x16xf32, #tpu.memory_space<hbm>>) dst(%arg10 : memref<2000x16xf32, #tpu.memory_space<vmem>>)
      tpu.yield
    }) : () -> ()
    %barrier3A = arith.constant 0 : index
    tpu.barrier barrier_id(%barrier3A)
    %scan3A = arith.constant 0 : i32
    %scan3A_5 = arith.constant 0 : i32
    %scan3A_6 = arith.constant 5 : i32
    %scan3A_7 = arith.addi %scan3A_5, %scan3A_6 : i32
    %scan3A_8 = arith.constant 1 : i32
    scf.for %scan3A_16 = %scan3A_5 to %scan3A_7 step %scan3A_8  : i32 {
      %mul3A_17 = arith.constant 2000 : i32
      %mul3A_18 = arith.muli %scan3A_16, %mul3A_17 : i32
      %add3A_19 = arith.addi %mul3A_2, %mul3A_18 : i32
      "tpu.region"() ({
        %run_scoped3A = tpu.sem_alloc : memref<!tpu.dma_semaphore, #tpu.memory_space<semaphore_mem>>
        %dma_start3A = tpu.memref_slice %arg3[%add3A_19] : memref<320000xi32, #tpu.memory_space<hbm>> -> memref<2000xi32, #tpu.memory_space<hbm>>
        %dma_start3A_20 = tpu.memref_slice %arg3[%add3A_19] : memref<320000xi32, #tpu.memory_space<hbm>> -> memref<2000xi32, #tpu.memory_space<hbm>>
        tpu.enqueue_dma source(%dma_start3A_20 : memref<2000xi32, #tpu.memory_space<hbm>>) target(%arg8 : memref<2000xi32, #tpu.memory_space<vmem>>) target_semaphore(%run_scoped3A : memref<!tpu.dma_semaphore, #tpu.memory_space<semaphore_mem>>)
        %dma_wait3A = tpu.memref_slice %arg3[%add3A_19] : memref<320000xi32, #tpu.memory_space<hbm>> -> memref<2000xi32, #tpu.memory_space<hbm>>
        %dma_wait3A_21 = tpu.memref_slice %arg3[%add3A_19] : memref<320000xi32, #tpu.memory_space<hbm>> -> memref<2000xi32, #tpu.memory_space<hbm>>
        tpu.wait_dma2 semaphore(%run_scoped3A : memref<!tpu.dma_semaphore, #tpu.memory_space<semaphore_mem>>) src(%dma_wait3A_21 : memref<2000xi32, #tpu.memory_space<hbm>>) dst(%arg8 : memref<2000xi32, #tpu.memory_space<vmem>>)
        tpu.yield
      }) : () -> ()
      "tpu.region"() ({
        %run_scoped3A = tpu.sem_alloc : memref<!tpu.dma_semaphore, #tpu.memory_space<semaphore_mem>>
        %dma_start3A = arith.constant 0 : i32
        %dma_start3A_20 = tpu.memref_slice %arg2[%add3A_19, %dma_start3A] : memref<320000x16xf32, #tpu.memory_space<hbm>> -> memref<2000x16xf32, #tpu.memory_space<hbm>>
        %dma_start3A_21 = arith.constant 0 : i32
        %dma_start3A_22 = tpu.memref_slice %arg2[%add3A_19, %dma_start3A_21] : memref<320000x16xf32, #tpu.memory_space<hbm>> -> memref<2000x16xf32, #tpu.memory_space<hbm>>
        tpu.enqueue_dma source(%dma_start3A_22 : memref<2000x16xf32, #tpu.memory_space<hbm>>) target(%arg9 : memref<2000x16xf32, #tpu.memory_space<vmem>>) target_semaphore(%run_scoped3A : memref<!tpu.dma_semaphore, #tpu.memory_space<semaphore_mem>>)
        %dma_wait3A = arith.constant 0 : i32
        %dma_wait3A_23 = tpu.memref_slice %arg2[%add3A_19, %dma_wait3A] : memref<320000x16xf32, #tpu.memory_space<hbm>> -> memref<2000x16xf32, #tpu.memory_space<hbm>>
        %dma_wait3A_24 = arith.constant 0 : i32
        %dma_wait3A_25 = tpu.memref_slice %arg2[%add3A_19, %dma_wait3A_24] : memref<320000x16xf32, #tpu.memory_space<hbm>> -> memref<2000x16xf32, #tpu.memory_space<hbm>>
        tpu.wait_dma2 semaphore(%run_scoped3A : memref<!tpu.dma_semaphore, #tpu.memory_space<semaphore_mem>>) src(%dma_wait3A_25 : memref<2000x16xf32, #tpu.memory_space<hbm>>) dst(%arg9 : memref<2000x16xf32, #tpu.memory_space<vmem>>)
        tpu.yield
      }) : () -> ()
      "tpu.region"() ({
        %run_scoped3A = tpu.sem_alloc : memref<!tpu.dma_semaphore, #tpu.memory_space<semaphore_mem>>
        %dma_start3A = arith.constant 0 : i32
        %dma_start3A_20 = arith.constant 0 : i32
        %dma_start3A_21 = tpu.memref_slice %arg11[%dma_start3A, %dma_start3A_20] : memref<10000x16xf32, #tpu.memory_space<vmem_shared>> -> memref<10000x16xf32, #tpu.memory_space<vmem_shared>>
        tpu.enqueue_indirect_dma source(%arg9 : memref<2000x16xf32, #tpu.memory_space<vmem>>) target(%dma_start3A_21 : memref<10000x16xf32, #tpu.memory_space<vmem_shared>>) offsets(%arg8 : memref<2000xi32, #tpu.memory_space<vmem>>) semaphore(%run_scoped3A : memref<!tpu.dma_semaphore, #tpu.memory_space<semaphore_mem>>) {add = true}
        %dma_wait3A = arith.constant 0 : i32
        %dma_wait3A_22 = arith.constant 0 : i32
        %dma_wait3A_23 = tpu.memref_slice %arg11[%dma_wait3A, %dma_wait3A_22] : memref<10000x16xf32, #tpu.memory_space<vmem_shared>> -> memref<10000x16xf32, #tpu.memory_space<vmem_shared>>
        tpu.wait_indirect_dma semaphore(%run_scoped3A : memref<!tpu.dma_semaphore, #tpu.memory_space<semaphore_mem>>) src(%arg9 : memref<2000x16xf32, #tpu.memory_space<vmem>>) dst(%dma_wait3A_23 : memref<10000x16xf32, #tpu.memory_space<vmem_shared>>)
        tpu.yield
      }) : () -> ()
      "tpu.region"() ({
        %run_scoped3A = tpu.sem_alloc : memref<!tpu.dma_semaphore, #tpu.memory_space<semaphore_mem>>
        %dma_start3A = arith.constant 0 : i32
        %dma_start3A_20 = arith.constant 0 : i32
        %dma_start3A_21 = tpu.memref_slice %arg12[%dma_start3A, %dma_start3A_20] : memref<10000x16xf32, #tpu.memory_space<vmem_shared>> -> memref<10000x16xf32, #tpu.memory_space<vmem_shared>>
        tpu.enqueue_indirect_dma source(%arg10 : memref<2000x16xf32, #tpu.memory_space<vmem>>) target(%dma_start3A_21 : memref<10000x16xf32, #tpu.memory_space<vmem_shared>>) offsets(%arg8 : memref<2000xi32, #tpu.memory_space<vmem>>) semaphore(%run_scoped3A : memref<!tpu.dma_semaphore, #tpu.memory_space<semaphore_mem>>) {add = true}
        %dma_wait3A = arith.constant 0 : i32
        %dma_wait3A_22 = arith.constant 0 : i32
        %dma_wait3A_23 = tpu.memref_slice %arg12[%dma_wait3A, %dma_wait3A_22] : memref<10000x16xf32, #tpu.memory_space<vmem_shared>> -> memref<10000x16xf32, #tpu.memory_space<vmem_shared>>
        tpu.wait_indirect_dma semaphore(%run_scoped3A : memref<!tpu.dma_semaphore, #tpu.memory_space<semaphore_mem>>) src(%arg10 : memref<2000x16xf32, #tpu.memory_space<vmem>>) dst(%dma_wait3A_23 : memref<10000x16xf32, #tpu.memory_space<vmem_shared>>)
        tpu.yield
      }) : () -> ()
    }
    %scan3A_9 = arith.constant 5 : i32
    %barrier3A_10 = arith.constant 0 : index
    tpu.barrier barrier_id(%barrier3A_10)
    %eq3A_11 = arith.constant 0 : i32
    %eq3A_12 = arith.cmpi eq, %arg1, %eq3A_11 : i32
    %convert_element_type3A_13 = arith.extui %eq3A_12 : i1 to i32
    %cond3A_14 = arith.constant 0 : i32
    %cond3A_15 = arith.cmpi ne, %convert_element_type3A_13, %cond3A_14 : i32
    scf.if %cond3A_15 {
      "tpu.region"() ({
        %run_scoped3A = tpu.sem_alloc : memref<!tpu.dma_semaphore, #tpu.memory_space<semaphore_mem>>
        %dma_start3A = arith.constant 0 : i32
        %dma_start3A_16 = arith.constant 0 : i32
        %dma_start3A_17 = tpu.memref_slice %arg6[%arg0, %dma_start3A, %dma_start3A_16] : memref<2x10000x16xf32, #tpu.memory_space<hbm>> -> memref<1x10000x16xf32, #tpu.memory_space<hbm>>
        %dma_start3A_18 = tpu.memref_squeeze %dma_start3A_17 : memref<1x10000x16xf32, #tpu.memory_space<hbm>> -> memref<10000x16xf32, #tpu.memory_space<hbm>>
        tpu.enqueue_dma source(%arg11 : memref<10000x16xf32, #tpu.memory_space<vmem_shared>>) target(%dma_start3A_18 : memref<10000x16xf32, #tpu.memory_space<hbm>>) target_semaphore(%run_scoped3A : memref<!tpu.dma_semaphore, #tpu.memory_space<semaphore_mem>>)
        %dma_wait3A = arith.constant 0 : i32
        %dma_wait3A_19 = arith.constant 0 : i32
        %dma_wait3A_20 = tpu.memref_slice %arg6[%arg0, %dma_wait3A, %dma_wait3A_19] : memref<2x10000x16xf32, #tpu.memory_space<hbm>> -> memref<1x10000x16xf32, #tpu.memory_space<hbm>>
        %dma_wait3A_21 = tpu.memref_squeeze %dma_wait3A_20 : memref<1x10000x16xf32, #tpu.memory_space<hbm>> -> memref<10000x16xf32, #tpu.memory_space<hbm>>
        tpu.wait_dma2 semaphore(%run_scoped3A : memref<!tpu.dma_semaphore, #tpu.memory_space<semaphore_mem>>) src(%arg11 : memref<10000x16xf32, #tpu.memory_space<vmem_shared>>) dst(%dma_wait3A_21 : memref<10000x16xf32, #tpu.memory_space<hbm>>)
        tpu.yield
      }) : () -> ()
      "tpu.region"() ({
        %run_scoped3A = tpu.sem_alloc : memref<!tpu.dma_semaphore, #tpu.memory_space<semaphore_mem>>
        %dma_start3A = arith.constant 0 : i32
        %dma_start3A_16 = arith.constant 0 : i32
        %dma_start3A_17 = tpu.memref_slice %arg7[%arg0, %dma_start3A, %dma_start3A_16] : memref<2x10000x16xf32, #tpu.memory_space<hbm>> -> memref<1x10000x16xf32, #tpu.memory_space<hbm>>
        %dma_start3A_18 = tpu.memref_squeeze %dma_start3A_17 : memref<1x10000x16xf32, #tpu.memory_space<hbm>> -> memref<10000x16xf32, #tpu.memory_space<hbm>>
        tpu.enqueue_dma source(%arg12 : memref<10000x16xf32, #tpu.memory_space<vmem_shared>>) target(%dma_start3A_18 : memref<10000x16xf32, #tpu.memory_space<hbm>>) target_semaphore(%run_scoped3A : memref<!tpu.dma_semaphore, #tpu.memory_space<semaphore_mem>>)
        %dma_wait3A = arith.constant 0 : i32
        %dma_wait3A_19 = arith.constant 0 : i32
        %dma_wait3A_20 = tpu.memref_slice %arg7[%arg0, %dma_wait3A, %dma_wait3A_19] : memref<2x10000x16xf32, #tpu.memory_space<hbm>> -> memref<1x10000x16xf32, #tpu.memory_space<hbm>>
        %dma_wait3A_21 = tpu.memref_squeeze %dma_wait3A_20 : memref<1x10000x16xf32, #tpu.memory_space<hbm>> -> memref<10000x16xf32, #tpu.memory_space<hbm>>
        tpu.wait_dma2 semaphore(%run_scoped3A : memref<!tpu.dma_semaphore, #tpu.memory_space<semaphore_mem>>) src(%arg12 : memref<10000x16xf32, #tpu.memory_space<vmem_shared>>) dst(%dma_wait3A_21 : memref<10000x16xf32, #tpu.memory_space<hbm>>)
        tpu.yield
      }) : () -> ()
    } else {
    }
    return
  }
}

module attributes {stable_mosaic.version = 14 : i64} {
  func.func @_moments_body(%arg0: memref<3x320000xf32, #tpu.memory_space<vmem>>, %arg1: memref<3x1xf32, #tpu.memory_space<vmem>>, %arg2: memref<3x3xf32, #tpu.memory_space<vmem>>) attributes {dimension_semantics = [], scalar_prefetch = 0 : i64, scratch_operands = 0 : i64, tpu.core_type = #tpu.core_type<tc>} {
    %get3A = arith.constant 0 : index
    %get3A_0 = arith.constant 0 : index
    %get3A_1 = vector.load %arg0[%get3A, %get3A_0] : memref<3x320000xf32, #tpu.memory_space<vmem>>, vector<3x320000xf32>
    %broadcast_in_dim3A = arith.constant 1.000000e+00 : f32
    %broadcast_in_dim3A_2 = vector.broadcast %broadcast_in_dim3A : f32 to vector<1x320000xf32>
    %dot_general3A = arith.constant dense<0.000000e+00> : vector<3x1xf32>
    %dot_general3A_3 = tpu.matmul %get3A_1, %broadcast_in_dim3A_2, %dot_general3A {dimension_numbers = #tpu.dot_dimension_numbers<[1], [1], [0], [0], [0, 0, 1, 0], [], []>, transpose_lhs_hint = false} : vector<3x320000xf32>, vector<1x320000xf32>, vector<3x1xf32> -> vector<3x1xf32>
    %swap3A = arith.constant 0 : index
    %swap3A_4 = arith.constant 0 : index
    %swap3A_5 = vector.load %arg1[%swap3A, %swap3A_4] : memref<3x1xf32, #tpu.memory_space<vmem>>, vector<3x1xf32>
    tpu.vector_store %arg1[%swap3A, %swap3A_4], %dot_general3A_3 {strides = array<i32>} : memref<3x1xf32, #tpu.memory_space<vmem>>, vector<3x1xf32>,
    %dot_general3A_6 = arith.constant dense<0.000000e+00> : vector<3x3xf32>
    %dot_general3A_7 = tpu.matmul %get3A_1, %get3A_1, %dot_general3A_6 {dimension_numbers = #tpu.dot_dimension_numbers<[1], [1], [0], [0], [0, 0, 1, 0], [], []>, transpose_lhs_hint = false} : vector<3x320000xf32>, vector<3x320000xf32>, vector<3x3xf32> -> vector<3x3xf32>
    %swap3A_8 = arith.constant 0 : index
    %swap3A_9 = arith.constant 0 : index
    %swap3A_10 = vector.load %arg2[%swap3A_8, %swap3A_9] : memref<3x3xf32, #tpu.memory_space<vmem>>, vector<3x3xf32>
    tpu.vector_store %arg2[%swap3A_8, %swap3A_9], %dot_general3A_7 {strides = array<i32>} : memref<3x3xf32, #tpu.memory_space<vmem>>, vector<3x3xf32>,
    return
  }
}

module attributes {stable_mosaic.version = 14 : i64} {
  func.func @_p1_body(%arg0: i32, %arg1: memref<3x16000xf32, #tpu.memory_space<vmem>>, %arg2: memref<3x256xf32, #tpu.memory_space<vmem>>, %arg3: memref<1x256xf32, #tpu.memory_space<vmem>>, %arg4: memref<3x1xf32, #tpu.memory_space<vmem>>, %arg5: memref<3x3xf32, #tpu.memory_space<vmem>>, %arg6: memref<1x256xf32, #tpu.memory_space<vmem>>, %arg7: memref<1x256xf32, #tpu.memory_space<vmem>>, %arg8: memref<256x128xf32, #tpu.memory_space<vmem>>, %arg9: memref<1x128xf32, #tpu.memory_space<vmem>>, %arg10: memref<16000x128xbf16, #tpu.memory_space<vmem>>, %arg11: memref<1x128xf32, #tpu.memory_space<vmem>>, %arg12: memref<1x128xf32, #tpu.memory_space<vmem>>) attributes {dimension_semantics = [#tpu.dimension_semantics<arbitrary>], iteration_bounds = array<i64: 20>, scalar_prefetch = 0 : i64, scratch_operands = 0 : i64, tpu.core_type = #tpu.core_type<tc>, window_params = [{transform_indices = @transform_0, window_bounds = array<i64: 3, 16000>}, {pipeline_mode = #tpu.pipeline_mode<synchronous>, transform_indices = @transform_1, window_bounds = array<i64: 3, 256>}, {pipeline_mode = #tpu.pipeline_mode<synchronous>, transform_indices = @transform_2, window_bounds = array<i64: 1, 256>}, {pipeline_mode = #tpu.pipeline_mode<synchronous>, transform_indices = @transform_3, window_bounds = array<i64: 3, 1>}, {pipeline_mode = #tpu.pipeline_mode<synchronous>, transform_indices = @transform_4, window_bounds = array<i64: 3, 3>}, {pipeline_mode = #tpu.pipeline_mode<synchronous>, transform_indices = @transform_5, window_bounds = array<i64: 1, 256>}, {pipeline_mode = #tpu.pipeline_mode<synchronous>, transform_indices = @transform_6, window_bounds = array<i64: 1, 256>}, {pipeline_mode = #tpu.pipeline_mode<synchronous>, transform_indices = @transform_7, window_bounds = array<i64: 256, 128>}, {pipeline_mode = #tpu.pipeline_mode<synchronous>, transform_indices = @transform_8, window_bounds = array<i64: 1, 128>}, {transform_indices = @transform_9, window_bounds = array<i64: 16000, 128>}, {pipeline_mode = #tpu.pipeline_mode<synchronous>, transform_indices = @transform_10, window_bounds = array<i64: 1, 128>}, {pipeline_mode = #tpu.pipeline_mode<synchronous>, transform_indices = @transform_11, window_bounds = array<i64: 1, 128>}]} {
    %get3A = arith.constant 0 : index
    %get3A_0 = arith.constant 0 : index
    %get3A_1 = vector.load %arg1[%get3A, %get3A_0] : memref<3x16000xf32, #tpu.memory_space<vmem>>, vector<3x16000xf32>
    %get3A_2 = arith.constant 0 : index
    %get3A_3 = arith.constant 0 : index
    %get3A_4 = vector.load %arg2[%get3A_2, %get3A_3] : memref<3x256xf32, #tpu.memory_space<vmem>>, vector<3x256xf32>
    %dot_general3A = arith.constant dense<0.000000e+00> : vector<16000x256xf32>
    %dot_general3A_5 = tpu.matmul %get3A_1, %get3A_4, %dot_general3A {dimension_numbers = #tpu.dot_dimension_numbers<[0], [0], [1], [1], [0, 1, 1, 1], [], []>, transpose_lhs_hint = false} : vector<3x16000xf32>, vector<3x256xf32>, vector<16000x256xf32> -> vector<16000x256xf32>
    %get3A_6 = arith.constant 0 : index
    %get3A_7 = arith.constant 0 : index
    %get3A_8 = vector.load %arg3[%get3A_6, %get3A_7] : memref<1x256xf32, #tpu.memory_space<vmem>>, vector<1x256xf32>
    %add3A = vector.broadcast %get3A_8 : vector<1x256xf32> to vector<16000x256xf32>
    %add3A_9 = arith.addf %dot_general3A_5, %add3A : vector<16000x256xf32>
    %get3A_10 = arith.constant 0 : index
    %get3A_11 = arith.constant 0 : index
    %get3A_12 = vector.load %arg4[%get3A_10, %get3A_11] : memref<3x1xf32, #tpu.memory_space<vmem>>, vector<1x1xf32>
    %get3A_13 = vector.extract %get3A_12[0, 0] : f32 from vector<1x1xf32>
    %mul3A = arith.constant 3.125000e-06 : f32
    %mul3A_14 = arith.mulf %get3A_13, %mul3A : f32
    %get3A_15 = arith.constant 1 : index
    %get3A_16 = arith.constant 0 : index
    %get3A_17 = vector.load %arg4[%get3A_15, %get3A_16] : memref<3x1xf32, #tpu.memory_space<vmem>>, vector<1x1xf32>
    %get3A_18 = vector.extract %get3A_17[0, 0] : f32 from vector<1x1xf32>
    %mul3A_19 = arith.constant 3.125000e-06 : f32
    %mul3A_20 = arith.mulf %get3A_18, %mul3A_19 : f32
    %get3A_21 = arith.constant 2 : index
    %get3A_22 = arith.constant 0 : index
    %get3A_23 = vector.load %arg4[%get3A_21, %get3A_22] : memref<3x1xf32, #tpu.memory_space<vmem>>, vector<1x1xf32>
    %get3A_24 = vector.extract %get3A_23[0, 0] : f32 from vector<1x1xf32>
    %mul3A_25 = arith.constant 3.125000e-06 : f32
    %mul3A_26 = arith.mulf %get3A_24, %mul3A_25 : f32
    %get3A_27 = arith.constant 0 : index
    %get3A_28 = arith.constant 0 : index
    %get3A_29 = vector.load %arg2[%get3A_27, %get3A_28] : memref<3x256xf32, #tpu.memory_space<vmem>>, vector<1x256xf32>
    %get3A_30 = arith.constant 1 : index
    %get3A_31 = arith.constant 0 : index
    %get3A_32 = vector.load %arg2[%get3A_30, %get3A_31] : memref<3x256xf32, #tpu.memory_space<vmem>>, vector<1x256xf32>
    %get3A_33 = arith.constant 2 : index
    %get3A_34 = arith.constant 0 : index
    %get3A_35 = vector.load %arg2[%get3A_33, %get3A_34] : memref<3x256xf32, #tpu.memory_space<vmem>>, vector<1x256xf32>
    %mul3A_36 = vector.broadcast %mul3A_14 : f32 to vector<1x256xf32>
    %mul3A_37 = arith.mulf %mul3A_36, %get3A_29 : vector<1x256xf32>
    %mul3A_38 = vector.broadcast %mul3A_20 : f32 to vector<1x256xf32>
    %mul3A_39 = arith.mulf %mul3A_38, %get3A_32 : vector<1x256xf32>
    %add3A_40 = arith.addf %mul3A_37, %mul3A_39 : vector<1x256xf32>
    %mul3A_41 = vector.broadcast %mul3A_26 : f32 to vector<1x256xf32>
    %mul3A_42 = arith.mulf %mul3A_41, %get3A_35 : vector<1x256xf32>
    %add3A_43 = arith.addf %add3A_40, %mul3A_42 : vector<1x256xf32>
    %get3A_44 = arith.constant 0 : index
    %get3A_45 = arith.constant 0 : index
    %get3A_46 = vector.load %arg3[%get3A_44, %get3A_45] : memref<1x256xf32, #tpu.memory_space<vmem>>, vector<1x256xf32>
    %add3A_47 = arith.addf %add3A_43, %get3A_46 : vector<1x256xf32>
    %broadcast_in_dim3A = arith.constant 0.000000e+00 : f32
    %broadcast_in_dim3A_48 = vector.broadcast %broadcast_in_dim3A : f32 to vector<1x256xf32>
    %get3A_49 = arith.constant 0 : index
    %get3A_50 = arith.constant 0 : index
    %get3A_51 = vector.load %arg5[%get3A_49, %get3A_50] : memref<3x3xf32, #tpu.memory_space<vmem>>, vector<1x1xf32>
    %get3A_52 = vector.extract %get3A_51[0, 0] : f32 from vector<1x1xf32>
    %mul3A_53 = arith.constant 3.125000e-06 : f32
    %mul3A_54 = arith.mulf %get3A_52, %mul3A_53 : f32
    %mul3A_55 = arith.mulf %mul3A_14, %mul3A_14 : f32
    %sub3A = arith.subf %mul3A_54, %mul3A_55 : f32
    %mul3A_56 = arith.mulf %get3A_29, %get3A_29 : vector<1x256xf32>
    %mul3A_57 = vector.broadcast %sub3A : f32 to vector<1x256xf32>
    %mul3A_58 = arith.mulf %mul3A_57, %mul3A_56 : vector<1x256xf32>
    %add3A_59 = arith.addf %broadcast_in_dim3A_48, %mul3A_58 : vector<1x256xf32>
    %get3A_60 = arith.constant 0 : index
    %get3A_61 = arith.constant 1 : index
    %get3A_62 = vector.load %arg5[%get3A_60, %get3A_61] : memref<3x3xf32, #tpu.memory_space<vmem>>, vector<1x1xf32>
    %get3A_63 = vector.extract %get3A_62[0, 0] : f32 from vector<1x1xf32>
    %mul3A_64 = arith.constant 3.125000e-06 : f32
    %mul3A_65 = arith.mulf %get3A_63, %mul3A_64 : f32
    %mul3A_66 = arith.mulf %mul3A_14, %mul3A_20 : f32
    %sub3A_67 = arith.subf %mul3A_65, %mul3A_66 : f32
    %mul3A_68 = arith.mulf %get3A_29, %get3A_32 : vector<1x256xf32>
    %mul3A_69 = vector.broadcast %sub3A_67 : f32 to vector<1x256xf32>
    %mul3A_70 = arith.mulf %mul3A_69, %mul3A_68 : vector<1x256xf32>
    %add3A_71 = arith.addf %add3A_59, %mul3A_70 : vector<1x256xf32>
    %get3A_72 = arith.constant 0 : index
    %get3A_73 = arith.constant 2 : index
    %get3A_74 = vector.load %arg5[%get3A_72, %get3A_73] : memref<3x3xf32, #tpu.memory_space<vmem>>, vector<1x1xf32>
    %get3A_75 = vector.extract %get3A_74[0, 0] : f32 from vector<1x1xf32>
    %mul3A_76 = arith.constant 3.125000e-06 : f32
    %mul3A_77 = arith.mulf %get3A_75, %mul3A_76 : f32
    %mul3A_78 = arith.mulf %mul3A_14, %mul3A_26 : f32
    %sub3A_79 = arith.subf %mul3A_77, %mul3A_78 : f32
    %mul3A_80 = arith.mulf %get3A_29, %get3A_35 : vector<1x256xf32>
    %mul3A_81 = vector.broadcast %sub3A_79 : f32 to vector<1x256xf32>
    %mul3A_82 = arith.mulf %mul3A_81, %mul3A_80 : vector<1x256xf32>
    %add3A_83 = arith.addf %add3A_71, %mul3A_82 : vector<1x256xf32>
    %get3A_84 = arith.constant 1 : index
    %get3A_85 = arith.constant 0 : index
    %get3A_86 = vector.load %arg5[%get3A_84, %get3A_85] : memref<3x3xf32, #tpu.memory_space<vmem>>, vector<1x1xf32>
    %get3A_87 = vector.extract %get3A_86[0, 0] : f32 from vector<1x1xf32>
    %mul3A_88 = arith.constant 3.125000e-06 : f32
    %mul3A_89 = arith.mulf %get3A_87, %mul3A_88 : f32
    %mul3A_90 = arith.mulf %mul3A_20, %mul3A_14 : f32
    %sub3A_91 = arith.subf %mul3A_89, %mul3A_90 : f32
    %mul3A_92 = arith.mulf %get3A_32, %get3A_29 : vector<1x256xf32>
    %mul3A_93 = vector.broadcast %sub3A_91 : f32 to vector<1x256xf32>
    %mul3A_94 = arith.mulf %mul3A_93, %mul3A_92 : vector<1x256xf32>
    %add3A_95 = arith.addf %add3A_83, %mul3A_94 : vector<1x256xf32>
    %get3A_96 = arith.constant 1 : index
    %get3A_97 = arith.constant 1 : index
    %get3A_98 = vector.load %arg5[%get3A_96, %get3A_97] : memref<3x3xf32, #tpu.memory_space<vmem>>, vector<1x1xf32>
    %get3A_99 = vector.extract %get3A_98[0, 0] : f32 from vector<1x1xf32>
    %mul3A_100 = arith.constant 3.125000e-06 : f32
    %mul3A_101 = arith.mulf %get3A_99, %mul3A_100 : f32
    %mul3A_102 = arith.mulf %mul3A_20, %mul3A_20 : f32
    %sub3A_103 = arith.subf %mul3A_101, %mul3A_102 : f32
    %mul3A_104 = arith.mulf %get3A_32, %get3A_32 : vector<1x256xf32>
    %mul3A_105 = vector.broadcast %sub3A_103 : f32 to vector<1x256xf32>
    %mul3A_106 = arith.mulf %mul3A_105, %mul3A_104 : vector<1x256xf32>
    %add3A_107 = arith.addf %add3A_95, %mul3A_106 : vector<1x256xf32>
    %get3A_108 = arith.constant 1 : index
    %get3A_109 = arith.constant 2 : index
    %get3A_110 = vector.load %arg5[%get3A_108, %get3A_109] : memref<3x3xf32, #tpu.memory_space<vmem>>, vector<1x1xf32>
    %get3A_111 = vector.extract %get3A_110[0, 0] : f32 from vector<1x1xf32>
    %mul3A_112 = arith.constant 3.125000e-06 : f32
    %mul3A_113 = arith.mulf %get3A_111, %mul3A_112 : f32
    %mul3A_114 = arith.mulf %mul3A_20, %mul3A_26 : f32
    %sub3A_115 = arith.subf %mul3A_113, %mul3A_114 : f32
    %mul3A_116 = arith.mulf %get3A_32, %get3A_35 : vector<1x256xf32>
    %mul3A_117 = vector.broadcast %sub3A_115 : f32 to vector<1x256xf32>
    %mul3A_118 = arith.mulf %mul3A_117, %mul3A_116 : vector<1x256xf32>
    %add3A_119 = arith.addf %add3A_107, %mul3A_118 : vector<1x256xf32>
    %get3A_120 = arith.constant 2 : index
    %get3A_121 = arith.constant 0 : index
    %get3A_122 = vector.load %arg5[%get3A_120, %get3A_121] : memref<3x3xf32, #tpu.memory_space<vmem>>, vector<1x1xf32>
    %get3A_123 = vector.extract %get3A_122[0, 0] : f32 from vector<1x1xf32>
    %mul3A_124 = arith.constant 3.125000e-06 : f32
    %mul3A_125 = arith.mulf %get3A_123, %mul3A_124 : f32
    %mul3A_126 = arith.mulf %mul3A_26, %mul3A_14 : f32
    %sub3A_127 = arith.subf %mul3A_125, %mul3A_126 : f32
    %mul3A_128 = arith.mulf %get3A_35, %get3A_29 : vector<1x256xf32>
    %mul3A_129 = vector.broadcast %sub3A_127 : f32 to vector<1x256xf32>
    %mul3A_130 = arith.mulf %mul3A_129, %mul3A_128 : vector<1x256xf32>
    %add3A_131 = arith.addf %add3A_119, %mul3A_130 : vector<1x256xf32>
    %get3A_132 = arith.constant 2 : index
    %get3A_133 = arith.constant 1 : index
    %get3A_134 = vector.load %arg5[%get3A_132, %get3A_133] : memref<3x3xf32, #tpu.memory_space<vmem>>, vector<1x1xf32>
    %get3A_135 = vector.extract %get3A_134[0, 0] : f32 from vector<1x1xf32>
    %mul3A_136 = arith.constant 3.125000e-06 : f32
    %mul3A_137 = arith.mulf %get3A_135, %mul3A_136 : f32
    %mul3A_138 = arith.mulf %mul3A_26, %mul3A_20 : f32
    %sub3A_139 = arith.subf %mul3A_137, %mul3A_138 : f32
    %mul3A_140 = arith.mulf %get3A_35, %get3A_32 : vector<1x256xf32>
    %mul3A_141 = vector.broadcast %sub3A_139 : f32 to vector<1x256xf32>
    %mul3A_142 = arith.mulf %mul3A_141, %mul3A_140 : vector<1x256xf32>
    %add3A_143 = arith.addf %add3A_131, %mul3A_142 : vector<1x256xf32>
    %get3A_144 = arith.constant 2 : index
    %get3A_145 = arith.constant 2 : index
    %get3A_146 = vector.load %arg5[%get3A_144, %get3A_145] : memref<3x3xf32, #tpu.memory_space<vmem>>, vector<1x1xf32>
    %get3A_147 = vector.extract %get3A_146[0, 0] : f32 from vector<1x1xf32>
    %mul3A_148 = arith.constant 3.125000e-06 : f32
    %mul3A_149 = arith.mulf %get3A_147, %mul3A_148 : f32
    %mul3A_150 = arith.mulf %mul3A_26, %mul3A_26 : f32
    %sub3A_151 = arith.subf %mul3A_149, %mul3A_150 : f32
    %mul3A_152 = arith.mulf %get3A_35, %get3A_35 : vector<1x256xf32>
    %mul3A_153 = vector.broadcast %sub3A_151 : f32 to vector<1x256xf32>
    %mul3A_154 = arith.mulf %mul3A_153, %mul3A_152 : vector<1x256xf32>
    %add3A_155 = arith.addf %add3A_143, %mul3A_154 : vector<1x256xf32>
    %get3A_156 = arith.constant 0 : index
    %get3A_157 = arith.constant 0 : index
    %get3A_158 = vector.load %arg6[%get3A_156, %get3A_157] : memref<1x256xf32, #tpu.memory_space<vmem>>, vector<1x256xf32>
    %add3A_159 = arith.constant 9.99999974E-6 : f32
    %add3A_160 = vector.broadcast %add3A_159 : f32 to vector<1x256xf32>
    %add3A_161 = arith.addf %add3A_155, %add3A_160 : vector<1x256xf32>
    %rsqrt3A = math.rsqrt %add3A_161 : vector<1x256xf32>
    %mul3A_162 = arith.mulf %get3A_158, %rsqrt3A : vector<1x256xf32>
    %get3A_163 = arith.constant 0 : index
    %get3A_164 = arith.constant 0 : index
    %get3A_165 = vector.load %arg7[%get3A_163, %get3A_164] : memref<1x256xf32, #tpu.memory_space<vmem>>, vector<1x256xf32>
    %mul3A_166 = arith.mulf %add3A_47, %mul3A_162 : vector<1x256xf32>
    %sub3A_167 = arith.subf %get3A_165, %mul3A_166 : vector<1x256xf32>
    %mul3A_168 = vector.broadcast %mul3A_162 : vector<1x256xf32> to vector<16000x256xf32>
    %mul3A_169 = arith.mulf %add3A_9, %mul3A_168 : vector<16000x256xf32>
    %add3A_170 = vector.broadcast %sub3A_167 : vector<1x256xf32> to vector<16000x256xf32>
    %add3A_171 = arith.addf %mul3A_169, %add3A_170 : vector<16000x256xf32>
    %max3A = arith.constant 0.000000e+00 : f32
    %max3A_172 = vector.broadcast %max3A : f32 to vector<16000x256xf32>
    %max3A_173 = arith.maximumf %add3A_171, %max3A_172 : vector<16000x256xf32>
    %get3A_174 = arith.constant 0 : index
    %get3A_175 = arith.constant 0 : index
    %get3A_176 = vector.load %arg8[%get3A_174, %get3A_175] : memref<256x128xf32, #tpu.memory_space<vmem>>, vector<256x128xf32>
    %dot_general3A_177 = arith.constant dense<0.000000e+00> : vector<16000x128xf32>
    %dot_general3A_178 = tpu.matmul %max3A_173, %get3A_176, %dot_general3A_177 {dimension_numbers = #tpu.dot_dimension_numbers<[1], [0], [0], [1], [0, 0, 1, 1], [], []>, transpose_lhs_hint = false} : vector<16000x256xf32>, vector<256x128xf32>, vector<16000x128xf32> -> vector<16000x128xf32>
    %get3A_179 = arith.constant 0 : index
    %get3A_180 = arith.constant 0 : index
    %get3A_181 = vector.load %arg9[%get3A_179, %get3A_180] : memref<1x128xf32, #tpu.memory_space<vmem>>, vector<1x128xf32>
    %add3A_182 = vector.broadcast %get3A_181 : vector<1x128xf32> to vector<16000x128xf32>
    %add3A_183 = arith.addf %dot_general3A_178, %add3A_182 : vector<16000x128xf32>
    %convert_element_type3A = arith.truncf %add3A_183 : vector<16000x128xf32> to vector<16000x128xbf16>
    %swap3A = arith.constant 0 : index
    %swap3A_184 = arith.constant 0 : index
    %swap3A_185 = vector.load %arg10[%swap3A, %swap3A_184] : memref<16000x128xbf16, #tpu.memory_space<vmem>>, vector<16000x128xbf16>
    tpu.vector_store %arg10[%swap3A, %swap3A_184], %convert_element_type3A {strides = array<i32>} : memref<16000x128xbf16, #tpu.memory_space<vmem>>, vector<16000x128xbf16>,
    %broadcast_in_dim3A_186 = arith.constant 1.000000e+00 : f32
    %broadcast_in_dim3A_187 = vector.broadcast %broadcast_in_dim3A_186 : f32 to vector<1x16000xf32>
    %dot_general3A_188 = arith.constant dense<0.000000e+00> : vector<1x128xf32>
    %dot_general3A_189 = tpu.matmul %broadcast_in_dim3A_187, %add3A_183, %dot_general3A_188 {dimension_numbers = #tpu.dot_dimension_numbers<[1], [0], [0], [1], [0, 0, 1, 1], [], []>, transpose_lhs_hint = false} : vector<1x16000xf32>, vector<16000x128xf32>, vector<1x128xf32> -> vector<1x128xf32>
    %mul3A_190 = arith.mulf %add3A_183, %add3A_183 : vector<16000x128xf32>
    %broadcast_in_dim3A_191 = arith.constant 1.000000e+00 : f32
    %broadcast_in_dim3A_192 = vector.broadcast %broadcast_in_dim3A_191 : f32 to vector<1x16000xf32>
    %dot_general3A_193 = arith.constant dense<0.000000e+00> : vector<1x128xf32>
    %dot_general3A_194 = tpu.matmul %broadcast_in_dim3A_192, %mul3A_190, %dot_general3A_193 {dimension_numbers = #tpu.dot_dimension_numbers<[1], [0], [0], [1], [0, 0, 1, 1], [], []>, transpose_lhs_hint = false} : vector<1x16000xf32>, vector<16000x128xf32>, vector<1x128xf32> -> vector<1x128xf32>
    %eq3A = arith.constant 0 : i32
    %eq3A_195 = arith.cmpi eq, %arg0, %eq3A : i32
    %convert_element_type3A_196 = arith.extui %eq3A_195 : i1 to i32
    %cond3A = arith.constant 0 : i32
    %cond3A_197 = arith.cmpi ne, %convert_element_type3A_196, %cond3A : i32
    scf.if %cond3A_197 {
      %swap3A_202 = arith.constant 0 : index
      %swap3A_203 = arith.constant 0 : index
      %swap3A_204 = vector.load %arg11[%swap3A_202, %swap3A_203] : memref<1x128xf32, #tpu.memory_space<vmem>>, vector<1x128xf32>
      tpu.vector_store %arg11[%swap3A_202, %swap3A_203], %dot_general3A_189 {strides = array<i32>} : memref<1x128xf32, #tpu.memory_space<vmem>>, vector<1x128xf32>,
      %swap3A_205 = arith.constant 0 : index
      %swap3A_206 = arith.constant 0 : index
      %swap3A_207 = vector.load %arg12[%swap3A_205, %swap3A_206] : memref<1x128xf32, #tpu.memory_space<vmem>>, vector<1x128xf32>
      tpu.vector_store %arg12[%swap3A_205, %swap3A_206], %dot_general3A_194 {strides = array<i32>} : memref<1x128xf32, #tpu.memory_space<vmem>>, vector<1x128xf32>,
    } else {
    }
    %gt3A = arith.constant 0 : i32
    %gt3A_198 = arith.cmpi sgt, %arg0, %gt3A : i32
    %convert_element_type3A_199 = arith.extui %gt3A_198 : i1 to i32
    %cond3A_200 = arith.constant 0 : i32
    %cond3A_201 = arith.cmpi ne, %convert_element_type3A_199, %cond3A_200 : i32
    scf.if %cond3A_201 {
      %get3A_202 = arith.constant 0 : index
      %get3A_203 = arith.constant 0 : index
      %get3A_204 = vector.load %arg11[%get3A_202, %get3A_203] : memref<1x128xf32, #tpu.memory_space<vmem>>, vector<1x128xf32>
      %add3A_205 = arith.addf %get3A_204, %dot_general3A_189 : vector<1x128xf32>
      %swap3A_206 = arith.constant 0 : index
      %swap3A_207 = arith.constant 0 : index
      %swap3A_208 = vector.load %arg11[%swap3A_206, %swap3A_207] : memref<1x128xf32, #tpu.memory_space<vmem>>, vector<1x128xf32>
      tpu.vector_store %arg11[%swap3A_206, %swap3A_207], %add3A_205 {strides = array<i32>} : memref<1x128xf32, #tpu.memory_space<vmem>>, vector<1x128xf32>,
      %get3A_209 = arith.constant 0 : index
      %get3A_210 = arith.constant 0 : index
      %get3A_211 = vector.load %arg12[%get3A_209, %get3A_210] : memref<1x128xf32, #tpu.memory_space<vmem>>, vector<1x128xf32>
      %add3A_212 = arith.addf %get3A_211, %dot_general3A_194 : vector<1x128xf32>
      %swap3A_213 = arith.constant 0 : index
      %swap3A_214 = arith.constant 0 : index
      %swap3A_215 = vector.load %arg12[%swap3A_213, %swap3A_214] : memref<1x128xf32, #tpu.memory_space<vmem>>, vector<1x128xf32>
      tpu.vector_store %arg12[%swap3A_213, %swap3A_214], %add3A_212 {strides = array<i32>} : memref<1x128xf32, #tpu.memory_space<vmem>>, vector<1x128xf32>,
    } else {
    }
    return
  }
  func.func @transform_0(%arg0: i32) -> (i32, i32) {
    %c0_i32 = arith.constant 0 : i32
    %c0_i32_0 = arith.constant 0 : i32
    return %c0_i32, %arg0 : i32, i32
  }
  func.func @transform_1(%arg0: i32) -> (i32, i32) {
    %c0_i32 = arith.constant 0 : i32
    %c0_i32_0 = arith.constant 0 : i32
    %c0_i32_1 = arith.constant 0 : i32
    return %c0_i32, %c0_i32_0 : i32, i32
  }
  func.func @transform_2(%arg0: i32) -> (i32, i32) {
    %c0_i32 = arith.constant 0 : i32
    %c0_i32_0 = arith.constant 0 : i32
    %c0_i32_1 = arith.constant 0 : i32
    return %c0_i32, %c0_i32_0 : i32, i32
  }
  func.func @transform_3(%arg0: i32) -> (i32, i32) {
    %c0_i32 = arith.constant 0 : i32
    %c0_i32_0 = arith.constant 0 : i32
    %c0_i32_1 = arith.constant 0 : i32
    return %c0_i32, %c0_i32_0 : i32, i32
  }
  func.func @transform_4(%arg0: i32) -> (i32, i32) {
    %c0_i32 = arith.constant 0 : i32
    %c0_i32_0 = arith.constant 0 : i32
    %c0_i32_1 = arith.constant 0 : i32
    return %c0_i32, %c0_i32_0 : i32, i32
  }
  func.func @transform_5(%arg0: i32) -> (i32, i32) {
    %c0_i32 = arith.constant 0 : i32
    %c0_i32_0 = arith.constant 0 : i32
    %c0_i32_1 = arith.constant 0 : i32
    return %c0_i32, %c0_i32_0 : i32, i32
  }
  func.func @transform_6(%arg0: i32) -> (i32, i32) {
    %c0_i32 = arith.constant 0 : i32
    %c0_i32_0 = arith.constant 0 : i32
    %c0_i32_1 = arith.constant 0 : i32
    return %c0_i32, %c0_i32_0 : i32, i32
  }
  func.func @transform_7(%arg0: i32) -> (i32, i32) {
    %c0_i32 = arith.constant 0 : i32
    %c0_i32_0 = arith.constant 0 : i32
    %c0_i32_1 = arith.constant 0 : i32
    return %c0_i32, %c0_i32_0 : i32, i32
  }
  func.func @transform_8(%arg0: i32) -> (i32, i32) {
    %c0_i32 = arith.constant 0 : i32
    %c0_i32_0 = arith.constant 0 : i32
    %c0_i32_1 = arith.constant 0 : i32
    return %c0_i32, %c0_i32_0 : i32, i32
  }
  func.func @transform_9(%arg0: i32) -> (i32, i32) {
    %c0_i32 = arith.constant 0 : i32
    %c0_i32_0 = arith.constant 0 : i32
    return %arg0, %c0_i32 : i32, i32
  }
  func.func @transform_10(%arg0: i32) -> (i32, i32) {
    %c0_i32 = arith.constant 0 : i32
    %c0_i32_0 = arith.constant 0 : i32
    %c0_i32_1 = arith.constant 0 : i32
    return %c0_i32, %c0_i32_0 : i32, i32
  }
  func.func @transform_11(%arg0: i32) -> (i32, i32) {
    %c0_i32 = arith.constant 0 : i32
    %c0_i32_0 = arith.constant 0 : i32
    %c0_i32_1 = arith.constant 0 : i32
    return %c0_i32, %c0_i32_0 : i32, i32
  }
}

module attributes {stable_mosaic.version = 14 : i64} {
  func.func @_mid_body(%arg0: i32, %arg1: memref<16000x128xbf16, #tpu.memory_space<vmem>>, %arg2: memref<1x128xf32, #tpu.memory_space<vmem>>, %arg3: memref<1x128xf32, #tpu.memory_space<vmem>>, %arg4: memref<1x128xf32, #tpu.memory_space<vmem>>, %arg5: memref<1x128xf32, #tpu.memory_space<vmem>>, %arg6: memref<128x64xf32, #tpu.memory_space<vmem>>, %arg7: memref<1x64xf32, #tpu.memory_space<vmem>>, %arg8: memref<16000x64xbf16, #tpu.memory_space<vmem>>, %arg9: memref<1x64xf32, #tpu.memory_space<vmem>>, %arg10: memref<1x64xf32, #tpu.memory_space<vmem>>) attributes {dimension_semantics = [#tpu.dimension_semantics<arbitrary>], iteration_bounds = array<i64: 20>, scalar_prefetch = 0 : i64, scratch_operands = 0 : i64, tpu.core_type = #tpu.core_type<tc>, window_params = [{transform_indices = @transform_0, window_bounds = array<i64: 16000, 128>}, {pipeline_mode = #tpu.pipeline_mode<synchronous>, transform_indices = @transform_1, window_bounds = array<i64: 1, 128>}, {pipeline_mode = #tpu.pipeline_mode<synchronous>, transform_indices = @transform_2, window_bounds = array<i64: 1, 128>}, {pipeline_mode = #tpu.pipeline_mode<synchronous>, transform_indices = @transform_3, window_bounds = array<i64: 1, 128>}, {pipeline_mode = #tpu.pipeline_mode<synchronous>, transform_indices = @transform_4, window_bounds = array<i64: 1, 128>}, {pipeline_mode = #tpu.pipeline_mode<synchronous>, transform_indices = @transform_5, window_bounds = array<i64: 128, 64>}, {pipeline_mode = #tpu.pipeline_mode<synchronous>, transform_indices = @transform_6, window_bounds = array<i64: 1, 64>}, {transform_indices = @transform_7, window_bounds = array<i64: 16000, 64>}, {pipeline_mode = #tpu.pipeline_mode<synchronous>, transform_indices = @transform_8, window_bounds = array<i64: 1, 64>}, {pipeline_mode = #tpu.pipeline_mode<synchronous>, transform_indices = @transform_9, window_bounds = array<i64: 1, 64>}]} {
    %get3A = arith.constant 0 : index
    %get3A_0 = arith.constant 0 : index
    %get3A_1 = vector.load %arg1[%get3A, %get3A_0] : memref<16000x128xbf16, #tpu.memory_space<vmem>>, vector<16000x128xbf16>
    %convert_element_type3A = arith.extf %get3A_1 : vector<16000x128xbf16> to vector<16000x128xf32>
    %get3A_2 = arith.constant 0 : index
    %get3A_3 = arith.constant 0 : index
    %get3A_4 = vector.load %arg2[%get3A_2, %get3A_3] : memref<1x128xf32, #tpu.memory_space<vmem>>, vector<1x128xf32>
    %mul3A = arith.constant 3.125000e-06 : f32
    %mul3A_5 = vector.broadcast %mul3A : f32 to vector<1x128xf32>
    %mul3A_6 = arith.mulf %get3A_4, %mul3A_5 : vector<1x128xf32>
    %get3A_7 = arith.constant 0 : index
    %get3A_8 = arith.constant 0 : index
    %get3A_9 = vector.load %arg3[%get3A_7, %get3A_8] : memref<1x128xf32, #tpu.memory_space<vmem>>, vector<1x128xf32>
    %mul3A_10 = arith.constant 3.125000e-06 : f32
    %mul3A_11 = vector.broadcast %mul3A_10 : f32 to vector<1x128xf32>
    %mul3A_12 = arith.mulf %get3A_9, %mul3A_11 : vector<1x128xf32>
    %mul3A_13 = arith.mulf %mul3A_6, %mul3A_6 : vector<1x128xf32>
    %sub3A = arith.subf %mul3A_12, %mul3A_13 : vector<1x128xf32>
    %get3A_14 = arith.constant 0 : index
    %get3A_15 = arith.constant 0 : index
    %get3A_16 = vector.load %arg4[%get3A_14, %get3A_15] : memref<1x128xf32, #tpu.memory_space<vmem>>, vector<1x128xf32>
    %add3A = arith.constant 9.99999974E-6 : f32
    %add3A_17 = vector.broadcast %add3A : f32 to vector<1x128xf32>
    %add3A_18 = arith.addf %sub3A, %add3A_17 : vector<1x128xf32>
    %rsqrt3A = math.rsqrt %add3A_18 : vector<1x128xf32>
    %mul3A_19 = arith.mulf %get3A_16, %rsqrt3A : vector<1x128xf32>
    %get3A_20 = arith.constant 0 : index
    %get3A_21 = arith.constant 0 : index
    %get3A_22 = vector.load %arg5[%get3A_20, %get3A_21] : memref<1x128xf32, #tpu.memory_space<vmem>>, vector<1x128xf32>
    %mul3A_23 = arith.mulf %mul3A_6, %mul3A_19 : vector<1x128xf32>
    %sub3A_24 = arith.subf %get3A_22, %mul3A_23 : vector<1x128xf32>
    %mul3A_25 = vector.broadcast %mul3A_19 : vector<1x128xf32> to vector<16000x128xf32>
    %mul3A_26 = arith.mulf %convert_element_type3A, %mul3A_25 : vector<16000x128xf32>
    %add3A_27 = vector.broadcast %sub3A_24 : vector<1x128xf32> to vector<16000x128xf32>
    %add3A_28 = arith.addf %mul3A_26, %add3A_27 : vector<16000x128xf32>
    %max3A = arith.constant 0.000000e+00 : f32
    %max3A_29 = vector.broadcast %max3A : f32 to vector<16000x128xf32>
    %max3A_30 = arith.maximumf %add3A_28, %max3A_29 : vector<16000x128xf32>
    %get3A_31 = arith.constant 0 : index
    %get3A_32 = arith.constant 0 : index
    %get3A_33 = vector.load %arg6[%get3A_31, %get3A_32] : memref<128x64xf32, #tpu.memory_space<vmem>>, vector<128x64xf32>
    %dot_general3A = arith.constant dense<0.000000e+00> : vector<16000x64xf32>
    %dot_general3A_34 = tpu.matmul %max3A_30, %get3A_33, %dot_general3A {dimension_numbers = #tpu.dot_dimension_numbers<[1], [0], [0], [1], [0, 0, 1, 1], [], []>, transpose_lhs_hint = false} : vector<16000x128xf32>, vector<128x64xf32>, vector<16000x64xf32> -> vector<16000x64xf32>
    %get3A_35 = arith.constant 0 : index
    %get3A_36 = arith.constant 0 : index
    %get3A_37 = vector.load %arg7[%get3A_35, %get3A_36] : memref<1x64xf32, #tpu.memory_space<vmem>>, vector<1x64xf32>
    %add3A_38 = vector.broadcast %get3A_37 : vector<1x64xf32> to vector<16000x64xf32>
    %add3A_39 = arith.addf %dot_general3A_34, %add3A_38 : vector<16000x64xf32>
    %convert_element_type3A_40 = arith.truncf %add3A_39 : vector<16000x64xf32> to vector<16000x64xbf16>
    %swap3A = arith.constant 0 : index
    %swap3A_41 = arith.constant 0 : index
    %swap3A_42 = vector.load %arg8[%swap3A, %swap3A_41] : memref<16000x64xbf16, #tpu.memory_space<vmem>>, vector<16000x64xbf16>
    tpu.vector_store %arg8[%swap3A, %swap3A_41], %convert_element_type3A_40 {strides = array<i32>} : memref<16000x64xbf16, #tpu.memory_space<vmem>>, vector<16000x64xbf16>,
    %broadcast_in_dim3A = arith.constant 1.000000e+00 : f32
    %broadcast_in_dim3A_43 = vector.broadcast %broadcast_in_dim3A : f32 to vector<1x16000xf32>
    %dot_general3A_44 = arith.constant dense<0.000000e+00> : vector<1x64xf32>
    %dot_general3A_45 = tpu.matmul %broadcast_in_dim3A_43, %add3A_39, %dot_general3A_44 {dimension_numbers = #tpu.dot_dimension_numbers<[1], [0], [0], [1], [0, 0, 1, 1], [], []>, transpose_lhs_hint = false} : vector<1x16000xf32>, vector<16000x64xf32>, vector<1x64xf32> -> vector<1x64xf32>
    %mul3A_46 = arith.mulf %add3A_39, %add3A_39 : vector<16000x64xf32>
    %broadcast_in_dim3A_47 = arith.constant 1.000000e+00 : f32
    %broadcast_in_dim3A_48 = vector.broadcast %broadcast_in_dim3A_47 : f32 to vector<1x16000xf32>
    %dot_general3A_49 = arith.constant dense<0.000000e+00> : vector<1x64xf32>
    %dot_general3A_50 = tpu.matmul %broadcast_in_dim3A_48, %mul3A_46, %dot_general3A_49 {dimension_numbers = #tpu.dot_dimension_numbers<[1], [0], [0], [1], [0, 0, 1, 1], [], []>, transpose_lhs_hint = false} : vector<1x16000xf32>, vector<16000x64xf32>, vector<1x64xf32> -> vector<1x64xf32>
    %eq3A = arith.constant 0 : i32
    %eq3A_51 = arith.cmpi eq, %arg0, %eq3A : i32
    %convert_element_type3A_52 = arith.extui %eq3A_51 : i1 to i32
    %cond3A = arith.constant 0 : i32
    %cond3A_53 = arith.cmpi ne, %convert_element_type3A_52, %cond3A : i32
    scf.if %cond3A_53 {
      %swap3A_58 = arith.constant 0 : index
      %swap3A_59 = arith.constant 0 : index
      %swap3A_60 = vector.load %arg9[%swap3A_58, %swap3A_59] : memref<1x64xf32, #tpu.memory_space<vmem>>, vector<1x64xf32>
      tpu.vector_store %arg9[%swap3A_58, %swap3A_59], %dot_general3A_45 {strides = array<i32>} : memref<1x64xf32, #tpu.memory_space<vmem>>, vector<1x64xf32>,
      %swap3A_61 = arith.constant 0 : index
      %swap3A_62 = arith.constant 0 : index
      %swap3A_63 = vector.load %arg10[%swap3A_61, %swap3A_62] : memref<1x64xf32, #tpu.memory_space<vmem>>, vector<1x64xf32>
      tpu.vector_store %arg10[%swap3A_61, %swap3A_62], %dot_general3A_50 {strides = array<i32>} : memref<1x64xf32, #tpu.memory_space<vmem>>, vector<1x64xf32>,
    } else {
    }
    %gt3A = arith.constant 0 : i32
    %gt3A_54 = arith.cmpi sgt, %arg0, %gt3A : i32
    %convert_element_type3A_55 = arith.extui %gt3A_54 : i1 to i32
    %cond3A_56 = arith.constant 0 : i32
    %cond3A_57 = arith.cmpi ne, %convert_element_type3A_55, %cond3A_56 : i32
    scf.if %cond3A_57 {
      %get3A_58 = arith.constant 0 : index
      %get3A_59 = arith.constant 0 : index
      %get3A_60 = vector.load %arg9[%get3A_58, %get3A_59] : memref<1x64xf32, #tpu.memory_space<vmem>>, vector<1x64xf32>
      %add3A_61 = arith.addf %get3A_60, %dot_general3A_45 : vector<1x64xf32>
      %swap3A_62 = arith.constant 0 : index
      %swap3A_63 = arith.constant 0 : index
      %swap3A_64 = vector.load %arg9[%swap3A_62, %swap3A_63] : memref<1x64xf32, #tpu.memory_space<vmem>>, vector<1x64xf32>
      tpu.vector_store %arg9[%swap3A_62, %swap3A_63], %add3A_61 {strides = array<i32>} : memref<1x64xf32, #tpu.memory_space<vmem>>, vector<1x64xf32>,
      %get3A_65 = arith.constant 0 : index
      %get3A_66 = arith.constant 0 : index
      %get3A_67 = vector.load %arg10[%get3A_65, %get3A_66] : memref<1x64xf32, #tpu.memory_space<vmem>>, vector<1x64xf32>
      %add3A_68 = arith.addf %get3A_67, %dot_general3A_50 : vector<1x64xf32>
      %swap3A_69 = arith.constant 0 : index
      %swap3A_70 = arith.constant 0 : index
      %swap3A_71 = vector.load %arg10[%swap3A_69, %swap3A_70] : memref<1x64xf32, #tpu.memory_space<vmem>>, vector<1x64xf32>
      tpu.vector_store %arg10[%swap3A_69, %swap3A_70], %add3A_68 {strides = array<i32>} : memref<1x64xf32, #tpu.memory_space<vmem>>, vector<1x64xf32>,
    } else {
    }
    return
  }
  func.func @transform_0(%arg0: i32) -> (i32, i32) {
    %c0_i32 = arith.constant 0 : i32
    %c0_i32_0 = arith.constant 0 : i32
    return %arg0, %c0_i32 : i32, i32
  }
  func.func @transform_1(%arg0: i32) -> (i32, i32) {
    %c0_i32 = arith.constant 0 : i32
    %c0_i32_0 = arith.constant 0 : i32
    %c0_i32_1 = arith.constant 0 : i32
    return %c0_i32, %c0_i32_0 : i32, i32
  }
  func.func @transform_2(%arg0: i32) -> (i32, i32) {
    %c0_i32 = arith.constant 0 : i32
    %c0_i32_0 = arith.constant 0 : i32
    %c0_i32_1 = arith.constant 0 : i32
    return %c0_i32, %c0_i32_0 : i32, i32
  }
  func.func @transform_3(%arg0: i32) -> (i32, i32) {
    %c0_i32 = arith.constant 0 : i32
    %c0_i32_0 = arith.constant 0 : i32
    %c0_i32_1 = arith.constant 0 : i32
    return %c0_i32, %c0_i32_0 : i32, i32
  }
  func.func @transform_4(%arg0: i32) -> (i32, i32) {
    %c0_i32 = arith.constant 0 : i32
    %c0_i32_0 = arith.constant 0 : i32
    %c0_i32_1 = arith.constant 0 : i32
    return %c0_i32, %c0_i32_0 : i32, i32
  }
  func.func @transform_5(%arg0: i32) -> (i32, i32) {
    %c0_i32 = arith.constant 0 : i32
    %c0_i32_0 = arith.constant 0 : i32
    %c0_i32_1 = arith.constant 0 : i32
    return %c0_i32, %c0_i32_0 : i32, i32
  }
  func.func @transform_6(%arg0: i32) -> (i32, i32) {
    %c0_i32 = arith.constant 0 : i32
    %c0_i32_0 = arith.constant 0 : i32
    %c0_i32_1 = arith.constant 0 : i32
    return %c0_i32, %c0_i32_0 : i32, i32
  }
  func.func @transform_7(%arg0: i32) -> (i32, i32) {
    %c0_i32 = arith.constant 0 : i32
    %c0_i32_0 = arith.constant 0 : i32
    return %arg0, %c0_i32 : i32, i32
  }
  func.func @transform_8(%arg0: i32) -> (i32, i32) {
    %c0_i32 = arith.constant 0 : i32
    %c0_i32_0 = arith.constant 0 : i32
    %c0_i32_1 = arith.constant 0 : i32
    return %c0_i32, %c0_i32_0 : i32, i32
  }
  func.func @transform_9(%arg0: i32) -> (i32, i32) {
    %c0_i32 = arith.constant 0 : i32
    %c0_i32_0 = arith.constant 0 : i32
    %c0_i32_1 = arith.constant 0 : i32
    return %c0_i32, %c0_i32_0 : i32, i32
  }
}

module attributes {stable_mosaic.version = 14 : i64} {
  func.func @_mid_body(%arg0: i32, %arg1: memref<16000x64xbf16, #tpu.memory_space<vmem>>, %arg2: memref<1x64xf32, #tpu.memory_space<vmem>>, %arg3: memref<1x64xf32, #tpu.memory_space<vmem>>, %arg4: memref<1x64xf32, #tpu.memory_space<vmem>>, %arg5: memref<1x64xf32, #tpu.memory_space<vmem>>, %arg6: memref<64x32xf32, #tpu.memory_space<vmem>>, %arg7: memref<1x32xf32, #tpu.memory_space<vmem>>, %arg8: memref<16000x32xbf16, #tpu.memory_space<vmem>>, %arg9: memref<1x32xf32, #tpu.memory_space<vmem>>, %arg10: memref<1x32xf32, #tpu.memory_space<vmem>>) attributes {dimension_semantics = [#tpu.dimension_semantics<arbitrary>], iteration_bounds = array<i64: 20>, scalar_prefetch = 0 : i64, scratch_operands = 0 : i64, tpu.core_type = #tpu.core_type<tc>, window_params = [{transform_indices = @transform_0, window_bounds = array<i64: 16000, 64>}, {pipeline_mode = #tpu.pipeline_mode<synchronous>, transform_indices = @transform_1, window_bounds = array<i64: 1, 64>}, {pipeline_mode = #tpu.pipeline_mode<synchronous>, transform_indices = @transform_2, window_bounds = array<i64: 1, 64>}, {pipeline_mode = #tpu.pipeline_mode<synchronous>, transform_indices = @transform_3, window_bounds = array<i64: 1, 64>}, {pipeline_mode = #tpu.pipeline_mode<synchronous>, transform_indices = @transform_4, window_bounds = array<i64: 1, 64>}, {pipeline_mode = #tpu.pipeline_mode<synchronous>, transform_indices = @transform_5, window_bounds = array<i64: 64, 32>}, {pipeline_mode = #tpu.pipeline_mode<synchronous>, transform_indices = @transform_6, window_bounds = array<i64: 1, 32>}, {transform_indices = @transform_7, window_bounds = array<i64: 16000, 32>}, {pipeline_mode = #tpu.pipeline_mode<synchronous>, transform_indices = @transform_8, window_bounds = array<i64: 1, 32>}, {pipeline_mode = #tpu.pipeline_mode<synchronous>, transform_indices = @transform_9, window_bounds = array<i64: 1, 32>}]} {
    %get3A = arith.constant 0 : index
    %get3A_0 = arith.constant 0 : index
    %get3A_1 = vector.load %arg1[%get3A, %get3A_0] : memref<16000x64xbf16, #tpu.memory_space<vmem>>, vector<16000x64xbf16>
    %convert_element_type3A = arith.extf %get3A_1 : vector<16000x64xbf16> to vector<16000x64xf32>
    %get3A_2 = arith.constant 0 : index
    %get3A_3 = arith.constant 0 : index
    %get3A_4 = vector.load %arg2[%get3A_2, %get3A_3] : memref<1x64xf32, #tpu.memory_space<vmem>>, vector<1x64xf32>
    %mul3A = arith.constant 3.125000e-06 : f32
    %mul3A_5 = vector.broadcast %mul3A : f32 to vector<1x64xf32>
    %mul3A_6 = arith.mulf %get3A_4, %mul3A_5 : vector<1x64xf32>
    %get3A_7 = arith.constant 0 : index
    %get3A_8 = arith.constant 0 : index
    %get3A_9 = vector.load %arg3[%get3A_7, %get3A_8] : memref<1x64xf32, #tpu.memory_space<vmem>>, vector<1x64xf32>
    %mul3A_10 = arith.constant 3.125000e-06 : f32
    %mul3A_11 = vector.broadcast %mul3A_10 : f32 to vector<1x64xf32>
    %mul3A_12 = arith.mulf %get3A_9, %mul3A_11 : vector<1x64xf32>
    %mul3A_13 = arith.mulf %mul3A_6, %mul3A_6 : vector<1x64xf32>
    %sub3A = arith.subf %mul3A_12, %mul3A_13 : vector<1x64xf32>
    %get3A_14 = arith.constant 0 : index
    %get3A_15 = arith.constant 0 : index
    %get3A_16 = vector.load %arg4[%get3A_14, %get3A_15] : memref<1x64xf32, #tpu.memory_space<vmem>>, vector<1x64xf32>
    %add3A = arith.constant 9.99999974E-6 : f32
    %add3A_17 = vector.broadcast %add3A : f32 to vector<1x64xf32>
    %add3A_18 = arith.addf %sub3A, %add3A_17 : vector<1x64xf32>
    %rsqrt3A = math.rsqrt %add3A_18 : vector<1x64xf32>
    %mul3A_19 = arith.mulf %get3A_16, %rsqrt3A : vector<1x64xf32>
    %get3A_20 = arith.constant 0 : index
    %get3A_21 = arith.constant 0 : index
    %get3A_22 = vector.load %arg5[%get3A_20, %get3A_21] : memref<1x64xf32, #tpu.memory_space<vmem>>, vector<1x64xf32>
    %mul3A_23 = arith.mulf %mul3A_6, %mul3A_19 : vector<1x64xf32>
    %sub3A_24 = arith.subf %get3A_22, %mul3A_23 : vector<1x64xf32>
    %mul3A_25 = vector.broadcast %mul3A_19 : vector<1x64xf32> to vector<16000x64xf32>
    %mul3A_26 = arith.mulf %convert_element_type3A, %mul3A_25 : vector<16000x64xf32>
    %add3A_27 = vector.broadcast %sub3A_24 : vector<1x64xf32> to vector<16000x64xf32>
    %add3A_28 = arith.addf %mul3A_26, %add3A_27 : vector<16000x64xf32>
    %max3A = arith.constant 0.000000e+00 : f32
    %max3A_29 = vector.broadcast %max3A : f32 to vector<16000x64xf32>
    %max3A_30 = arith.maximumf %add3A_28, %max3A_29 : vector<16000x64xf32>
    %get3A_31 = arith.constant 0 : index
    %get3A_32 = arith.constant 0 : index
    %get3A_33 = vector.load %arg6[%get3A_31, %get3A_32] : memref<64x32xf32, #tpu.memory_space<vmem>>, vector<64x32xf32>
    %dot_general3A = arith.constant dense<0.000000e+00> : vector<16000x32xf32>
    %dot_general3A_34 = tpu.matmul %max3A_30, %get3A_33, %dot_general3A {dimension_numbers = #tpu.dot_dimension_numbers<[1], [0], [0], [1], [0, 0, 1, 1], [], []>, transpose_lhs_hint = false} : vector<16000x64xf32>, vector<64x32xf32>, vector<16000x32xf32> -> vector<16000x32xf32>
    %get3A_35 = arith.constant 0 : index
    %get3A_36 = arith.constant 0 : index
    %get3A_37 = vector.load %arg7[%get3A_35, %get3A_36] : memref<1x32xf32, #tpu.memory_space<vmem>>, vector<1x32xf32>
    %add3A_38 = vector.broadcast %get3A_37 : vector<1x32xf32> to vector<16000x32xf32>
    %add3A_39 = arith.addf %dot_general3A_34, %add3A_38 : vector<16000x32xf32>
    %convert_element_type3A_40 = arith.truncf %add3A_39 : vector<16000x32xf32> to vector<16000x32xbf16>
    %swap3A = arith.constant 0 : index
    %swap3A_41 = arith.constant 0 : index
    %swap3A_42 = vector.load %arg8[%swap3A, %swap3A_41] : memref<16000x32xbf16, #tpu.memory_space<vmem>>, vector<16000x32xbf16>
    tpu.vector_store %arg8[%swap3A, %swap3A_41], %convert_element_type3A_40 {strides = array<i32>} : memref<16000x32xbf16, #tpu.memory_space<vmem>>, vector<16000x32xbf16>,
    %broadcast_in_dim3A = arith.constant 1.000000e+00 : f32
    %broadcast_in_dim3A_43 = vector.broadcast %broadcast_in_dim3A : f32 to vector<1x16000xf32>
    %dot_general3A_44 = arith.constant dense<0.000000e+00> : vector<1x32xf32>
    %dot_general3A_45 = tpu.matmul %broadcast_in_dim3A_43, %add3A_39, %dot_general3A_44 {dimension_numbers = #tpu.dot_dimension_numbers<[1], [0], [0], [1], [0, 0, 1, 1], [], []>, transpose_lhs_hint = false} : vector<1x16000xf32>, vector<16000x32xf32>, vector<1x32xf32> -> vector<1x32xf32>
    %mul3A_46 = arith.mulf %add3A_39, %add3A_39 : vector<16000x32xf32>
    %broadcast_in_dim3A_47 = arith.constant 1.000000e+00 : f32
    %broadcast_in_dim3A_48 = vector.broadcast %broadcast_in_dim3A_47 : f32 to vector<1x16000xf32>
    %dot_general3A_49 = arith.constant dense<0.000000e+00> : vector<1x32xf32>
    %dot_general3A_50 = tpu.matmul %broadcast_in_dim3A_48, %mul3A_46, %dot_general3A_49 {dimension_numbers = #tpu.dot_dimension_numbers<[1], [0], [0], [1], [0, 0, 1, 1], [], []>, transpose_lhs_hint = false} : vector<1x16000xf32>, vector<16000x32xf32>, vector<1x32xf32> -> vector<1x32xf32>
    %eq3A = arith.constant 0 : i32
    %eq3A_51 = arith.cmpi eq, %arg0, %eq3A : i32
    %convert_element_type3A_52 = arith.extui %eq3A_51 : i1 to i32
    %cond3A = arith.constant 0 : i32
    %cond3A_53 = arith.cmpi ne, %convert_element_type3A_52, %cond3A : i32
    scf.if %cond3A_53 {
      %swap3A_58 = arith.constant 0 : index
      %swap3A_59 = arith.constant 0 : index
      %swap3A_60 = vector.load %arg9[%swap3A_58, %swap3A_59] : memref<1x32xf32, #tpu.memory_space<vmem>>, vector<1x32xf32>
      tpu.vector_store %arg9[%swap3A_58, %swap3A_59], %dot_general3A_45 {strides = array<i32>} : memref<1x32xf32, #tpu.memory_space<vmem>>, vector<1x32xf32>,
      %swap3A_61 = arith.constant 0 : index
      %swap3A_62 = arith.constant 0 : index
      %swap3A_63 = vector.load %arg10[%swap3A_61, %swap3A_62] : memref<1x32xf32, #tpu.memory_space<vmem>>, vector<1x32xf32>
      tpu.vector_store %arg10[%swap3A_61, %swap3A_62], %dot_general3A_50 {strides = array<i32>} : memref<1x32xf32, #tpu.memory_space<vmem>>, vector<1x32xf32>,
    } else {
    }
    %gt3A = arith.constant 0 : i32
    %gt3A_54 = arith.cmpi sgt, %arg0, %gt3A : i32
    %convert_element_type3A_55 = arith.extui %gt3A_54 : i1 to i32
    %cond3A_56 = arith.constant 0 : i32
    %cond3A_57 = arith.cmpi ne, %convert_element_type3A_55, %cond3A_56 : i32
    scf.if %cond3A_57 {
      %get3A_58 = arith.constant 0 : index
      %get3A_59 = arith.constant 0 : index
      %get3A_60 = vector.load %arg9[%get3A_58, %get3A_59] : memref<1x32xf32, #tpu.memory_space<vmem>>, vector<1x32xf32>
      %add3A_61 = arith.addf %get3A_60, %dot_general3A_45 : vector<1x32xf32>
      %swap3A_62 = arith.constant 0 : index
      %swap3A_63 = arith.constant 0 : index
      %swap3A_64 = vector.load %arg9[%swap3A_62, %swap3A_63] : memref<1x32xf32, #tpu.memory_space<vmem>>, vector<1x32xf32>
      tpu.vector_store %arg9[%swap3A_62, %swap3A_63], %add3A_61 {strides = array<i32>} : memref<1x32xf32, #tpu.memory_space<vmem>>, vector<1x32xf32>,
      %get3A_65 = arith.constant 0 : index
      %get3A_66 = arith.constant 0 : index
      %get3A_67 = vector.load %arg10[%get3A_65, %get3A_66] : memref<1x32xf32, #tpu.memory_space<vmem>>, vector<1x32xf32>
      %add3A_68 = arith.addf %get3A_67, %dot_general3A_50 : vector<1x32xf32>
      %swap3A_69 = arith.constant 0 : index
      %swap3A_70 = arith.constant 0 : index
      %swap3A_71 = vector.load %arg10[%swap3A_69, %swap3A_70] : memref<1x32xf32, #tpu.memory_space<vmem>>, vector<1x32xf32>
      tpu.vector_store %arg10[%swap3A_69, %swap3A_70], %add3A_68 {strides = array<i32>} : memref<1x32xf32, #tpu.memory_space<vmem>>, vector<1x32xf32>,
    } else {
    }
    return
  }
  func.func @transform_0(%arg0: i32) -> (i32, i32) {
    %c0_i32 = arith.constant 0 : i32
    %c0_i32_0 = arith.constant 0 : i32
    return %arg0, %c0_i32 : i32, i32
  }
  func.func @transform_1(%arg0: i32) -> (i32, i32) {
    %c0_i32 = arith.constant 0 : i32
    %c0_i32_0 = arith.constant 0 : i32
    %c0_i32_1 = arith.constant 0 : i32
    return %c0_i32, %c0_i32_0 : i32, i32
  }
  func.func @transform_2(%arg0: i32) -> (i32, i32) {
    %c0_i32 = arith.constant 0 : i32
    %c0_i32_0 = arith.constant 0 : i32
    %c0_i32_1 = arith.constant 0 : i32
    return %c0_i32, %c0_i32_0 : i32, i32
  }
  func.func @transform_3(%arg0: i32) -> (i32, i32) {
    %c0_i32 = arith.constant 0 : i32
    %c0_i32_0 = arith.constant 0 : i32
    %c0_i32_1 = arith.constant 0 : i32
    return %c0_i32, %c0_i32_0 : i32, i32
  }
  func.func @transform_4(%arg0: i32) -> (i32, i32) {
    %c0_i32 = arith.constant 0 : i32
    %c0_i32_0 = arith.constant 0 : i32
    %c0_i32_1 = arith.constant 0 : i32
    return %c0_i32, %c0_i32_0 : i32, i32
  }
  func.func @transform_5(%arg0: i32) -> (i32, i32) {
    %c0_i32 = arith.constant 0 : i32
    %c0_i32_0 = arith.constant 0 : i32
    %c0_i32_1 = arith.constant 0 : i32
    return %c0_i32, %c0_i32_0 : i32, i32
  }
  func.func @transform_6(%arg0: i32) -> (i32, i32) {
    %c0_i32 = arith.constant 0 : i32
    %c0_i32_0 = arith.constant 0 : i32
    %c0_i32_1 = arith.constant 0 : i32
    return %c0_i32, %c0_i32_0 : i32, i32
  }
  func.func @transform_7(%arg0: i32) -> (i32, i32) {
    %c0_i32 = arith.constant 0 : i32
    %c0_i32_0 = arith.constant 0 : i32
    return %arg0, %c0_i32 : i32, i32
  }
  func.func @transform_8(%arg0: i32) -> (i32, i32) {
    %c0_i32 = arith.constant 0 : i32
    %c0_i32_0 = arith.constant 0 : i32
    %c0_i32_1 = arith.constant 0 : i32
    return %c0_i32, %c0_i32_0 : i32, i32
  }
  func.func @transform_9(%arg0: i32) -> (i32, i32) {
    %c0_i32 = arith.constant 0 : i32
    %c0_i32_0 = arith.constant 0 : i32
    %c0_i32_1 = arith.constant 0 : i32
    return %c0_i32, %c0_i32_0 : i32, i32
  }
}

module attributes {stable_mosaic.version = 14 : i64} {
  func.func @_p4_body(%arg0: i32, %arg1: memref<8000x32xbf16, #tpu.memory_space<vmem>>, %arg2: memref<1x32xf32, #tpu.memory_space<vmem>>, %arg3: memref<1x32xf32, #tpu.memory_space<vmem>>, %arg4: memref<1x32xf32, #tpu.memory_space<vmem>>, %arg5: memref<1x32xf32, #tpu.memory_space<vmem>>, %arg6: memref<32x256xf32, #tpu.memory_space<vmem>>, %arg7: memref<1x256xf32, #tpu.memory_space<vmem>>, %arg8: memref<8000x16xf32, #tpu.memory_space<vmem>>, %arg9: memref<8000x16xf32, #tpu.memory_space<vmem>>) attributes {dimension_semantics = [#tpu.dimension_semantics<arbitrary>], iteration_bounds = array<i64: 40>, scalar_prefetch = 0 : i64, scratch_operands = 0 : i64, tpu.core_type = #tpu.core_type<tc>, window_params = [{transform_indices = @transform_0, window_bounds = array<i64: 8000, 32>}, {pipeline_mode = #tpu.pipeline_mode<synchronous>, transform_indices = @transform_1, window_bounds = array<i64: 1, 32>}, {pipeline_mode = #tpu.pipeline_mode<synchronous>, transform_indices = @transform_2, window_bounds = array<i64: 1, 32>}, {pipeline_mode = #tpu.pipeline_mode<synchronous>, transform_indices = @transform_3, window_bounds = array<i64: 1, 32>}, {pipeline_mode = #tpu.pipeline_mode<synchronous>, transform_indices = @transform_4, window_bounds = array<i64: 1, 32>}, {pipeline_mode = #tpu.pipeline_mode<synchronous>, transform_indices = @transform_5, window_bounds = array<i64: 32, 256>}, {pipeline_mode = #tpu.pipeline_mode<synchronous>, transform_indices = @transform_6, window_bounds = array<i64: 1, 256>}, {transform_indices = @transform_7, window_bounds = array<i64: 8000, 16>}, {transform_indices = @transform_8, window_bounds = array<i64: 8000, 16>}]} {
    %get3A = arith.constant 0 : index
    %get3A_0 = arith.constant 0 : index
    %get3A_1 = vector.load %arg1[%get3A, %get3A_0] : memref<8000x32xbf16, #tpu.memory_space<vmem>>, vector<8000x32xbf16>
    %convert_element_type3A = arith.extf %get3A_1 : vector<8000x32xbf16> to vector<8000x32xf32>
    %get3A_2 = arith.constant 0 : index
    %get3A_3 = arith.constant 0 : index
    %get3A_4 = vector.load %arg2[%get3A_2, %get3A_3] : memref<1x32xf32, #tpu.memory_space<vmem>>, vector<1x32xf32>
    %mul3A = arith.constant 3.125000e-06 : f32
    %mul3A_5 = vector.broadcast %mul3A : f32 to vector<1x32xf32>
    %mul3A_6 = arith.mulf %get3A_4, %mul3A_5 : vector<1x32xf32>
    %get3A_7 = arith.constant 0 : index
    %get3A_8 = arith.constant 0 : index
    %get3A_9 = vector.load %arg3[%get3A_7, %get3A_8] : memref<1x32xf32, #tpu.memory_space<vmem>>, vector<1x32xf32>
    %mul3A_10 = arith.constant 3.125000e-06 : f32
    %mul3A_11 = vector.broadcast %mul3A_10 : f32 to vector<1x32xf32>
    %mul3A_12 = arith.mulf %get3A_9, %mul3A_11 : vector<1x32xf32>
    %mul3A_13 = arith.mulf %mul3A_6, %mul3A_6 : vector<1x32xf32>
    %sub3A = arith.subf %mul3A_12, %mul3A_13 : vector<1x32xf32>
    %get3A_14 = arith.constant 0 : index
    %get3A_15 = arith.constant 0 : index
    %get3A_16 = vector.load %arg4[%get3A_14, %get3A_15] : memref<1x32xf32, #tpu.memory_space<vmem>>, vector<1x32xf32>
    %add3A = arith.constant 9.99999974E-6 : f32
    %add3A_17 = vector.broadcast %add3A : f32 to vector<1x32xf32>
    %add3A_18 = arith.addf %sub3A, %add3A_17 : vector<1x32xf32>
    %rsqrt3A = math.rsqrt %add3A_18 : vector<1x32xf32>
    %mul3A_19 = arith.mulf %get3A_16, %rsqrt3A : vector<1x32xf32>
    %get3A_20 = arith.constant 0 : index
    %get3A_21 = arith.constant 0 : index
    %get3A_22 = vector.load %arg5[%get3A_20, %get3A_21] : memref<1x32xf32, #tpu.memory_space<vmem>>, vector<1x32xf32>
    %mul3A_23 = arith.mulf %mul3A_6, %mul3A_19 : vector<1x32xf32>
    %sub3A_24 = arith.subf %get3A_22, %mul3A_23 : vector<1x32xf32>
    %mul3A_25 = vector.broadcast %mul3A_19 : vector<1x32xf32> to vector<8000x32xf32>
    %mul3A_26 = arith.mulf %convert_element_type3A, %mul3A_25 : vector<8000x32xf32>
    %add3A_27 = vector.broadcast %sub3A_24 : vector<1x32xf32> to vector<8000x32xf32>
    %add3A_28 = arith.addf %mul3A_26, %add3A_27 : vector<8000x32xf32>
    %max3A = arith.constant 0.000000e+00 : f32
    %max3A_29 = vector.broadcast %max3A : f32 to vector<8000x32xf32>
    %max3A_30 = arith.maximumf %add3A_28, %max3A_29 : vector<8000x32xf32>
    %get3A_31 = arith.constant 0 : index
    %get3A_32 = arith.constant 0 : index
    %get3A_33 = vector.load %arg6[%get3A_31, %get3A_32] : memref<32x256xf32, #tpu.memory_space<vmem>>, vector<32x256xf32>
    %dot_general3A = arith.constant dense<0.000000e+00> : vector<8000x256xf32>
    %dot_general3A_34 = tpu.matmul %max3A_30, %get3A_33, %dot_general3A {dimension_numbers = #tpu.dot_dimension_numbers<[1], [0], [0], [1], [0, 0, 1, 1], [], []>, transpose_lhs_hint = false} : vector<8000x32xf32>, vector<32x256xf32>, vector<8000x256xf32> -> vector<8000x256xf32>
    %get3A_35 = arith.constant 0 : index
    %get3A_36 = arith.constant 0 : index
    %get3A_37 = vector.load %arg7[%get3A_35, %get3A_36] : memref<1x256xf32, #tpu.memory_space<vmem>>, vector<1x256xf32>
    %add3A_38 = vector.broadcast %get3A_37 : vector<1x256xf32> to vector<8000x256xf32>
    %add3A_39 = arith.addf %dot_general3A_34, %add3A_38 : vector<8000x256xf32>
    %logistic3A = arith.negf %add3A_39 : vector<8000x256xf32>
    %logistic3A_40 = math.exp %logistic3A : vector<8000x256xf32>
    %logistic3A_41 = arith.constant 1.000000e+00 : f32
    %logistic3A_42 = vector.broadcast %logistic3A_41 : f32 to vector<8000x256xf32>
    %logistic3A_43 = arith.addf %logistic3A_42, %logistic3A_40 : vector<8000x256xf32>
    %logistic3A_44 = arith.divf %logistic3A_42, %logistic3A_43 : vector<8000x256xf32>
    %get3A_45 = arith.constant 0 : index
    %get3A_46 = arith.constant 0 : index
    %get3A_47 = vector.load %arg8[%get3A_45, %get3A_46] : memref<8000x16xf32, #tpu.memory_space<vmem>>, vector<8000x16xf32>
    %iota3A = tpu.iota {dimensions = array<i32: 1>} : vector<16x256xi32>
    %iota3A_48 = tpu.iota {dimensions = array<i32: 0>} : vector<16x256xi32>
    %jit3A = arith.constant 16 : i32
    %div3A = vector.broadcast %jit3A : i32 to vector<16x256xi32>
    %div3A_49 = arith.divsi %iota3A, %div3A : vector<16x256xi32>
    %sign3A = arith.constant 0 : i32
    %sign3A_50 = vector.broadcast %sign3A : i32 to vector<16x256xi32>
    %sign3A_51 = arith.cmpi sgt, %iota3A, %sign3A_50 : vector<16x256xi32>
    %sign3A_52 = arith.extui %sign3A_51 : vector<16x256xi1> to vector<16x256xi32>
    %sign3A_53 = arith.constant 0 : i32
    %sign3A_54 = vector.broadcast %sign3A_53 : i32 to vector<16x256xi32>
    %sign3A_55 = arith.cmpi slt, %iota3A, %sign3A_54 : vector<16x256xi32>
    %sign3A_56 = arith.extui %sign3A_55 : vector<16x256xi1> to vector<16x256xi32>
    %sign3A_57 = arith.subi %sign3A_52, %sign3A_56 : vector<16x256xi32>
    %sign3A_58 = arith.constant 0 : i32
    %sign3A_59 = arith.cmpi sgt, %jit3A, %sign3A_58 : i32
    %sign3A_60 = arith.extui %sign3A_59 : i1 to i32
    %sign3A_61 = arith.constant 0 : i32
    %sign3A_62 = arith.cmpi slt, %jit3A, %sign3A_61 : i32
    %sign3A_63 = arith.extui %sign3A_62 : i1 to i32
    %sign3A_64 = arith.subi %sign3A_60, %sign3A_63 : i32
    %ne3A = vector.broadcast %sign3A_64 : i32 to vector<16x256xi32>
    %ne3A_65 = arith.cmpi ne, %sign3A_57, %ne3A : vector<16x256xi32>
    %rem3A = vector.broadcast %jit3A : i32 to vector<16x256xi32>
    %rem3A_66 = arith.remsi %iota3A, %rem3A : vector<16x256xi32>
    %ne3A_67 = arith.constant 0 : i32
    %ne3A_68 = vector.broadcast %ne3A_67 : i32 to vector<16x256xi32>
    %ne3A_69 = arith.cmpi ne, %rem3A_66, %ne3A_68 : vector<16x256xi32>
    %and3A = arith.andi %ne3A_65, %ne3A_69 : vector<16x256xi1>
    %sub3A_70 = arith.constant 1 : i32
    %sub3A_71 = vector.broadcast %sub3A_70 : i32 to vector<16x256xi32>
    %sub3A_72 = arith.subi %div3A_49, %sub3A_71 : vector<16x256xi32>
    %select_n3A = arith.select %and3A, %sub3A_72, %div3A_49 : vector<16x256xi1>, vector<16x256xi32>
    %eq3A = arith.cmpi eq, %select_n3A, %iota3A_48 : vector<16x256xi32>
    %convert_element_type3A_73 = arith.extui %eq3A : vector<16x256xi1> to vector<16x256xi32>
    %convert_element_type3A_74 = arith.sitofp %convert_element_type3A_73 : vector<16x256xi32> to vector<16x256xf32>
    %iota3A_75 = tpu.iota {dimensions = array<i32: 0>} : vector<256x16xi32>
    %iota3A_76 = tpu.iota {dimensions = array<i32: 1>} : vector<256x16xi32>
    %jit3A_77 = arith.constant 16 : i32
    %eq3A_78 = arith.constant 0 : i32
    %eq3A_79 = arith.cmpi eq, %jit3A_77, %eq3A_78 : i32
    %jit3A_80 = arith.constant 1 : i32
    %select_n3A_81 = arith.select %eq3A_79, %jit3A_80, %jit3A_77 : i32
    %rem3A_82 = vector.broadcast %select_n3A_81 : i32 to vector<256x16xi32>
    %rem3A_83 = arith.remsi %iota3A_75, %rem3A_82 : vector<256x16xi32>
    %ne3A_84 = arith.constant 0 : i32
    %ne3A_85 = vector.broadcast %ne3A_84 : i32 to vector<256x16xi32>
    %ne3A_86 = arith.cmpi ne, %rem3A_83, %ne3A_85 : vector<256x16xi32>
    %lt3A = arith.constant 0 : i32
    %lt3A_87 = vector.broadcast %lt3A : i32 to vector<256x16xi32>
    %lt3A_88 = arith.cmpi slt, %rem3A_83, %lt3A_87 : vector<256x16xi32>
    %lt3A_89 = arith.constant 0 : i32
    %lt3A_90 = arith.cmpi slt, %select_n3A_81, %lt3A_89 : i32
    %ne3A_91 = vector.broadcast %lt3A_90 : i1 to vector<256x16xi1>
    %ne3A_92 = vector.broadcast %ne3A_91 : vector<256x16xi1> to vector<256x16xi1>
    %ne3A_93 = arith.xori %lt3A_88, %ne3A_92 : vector<256x16xi1>
    %and3A_94 = arith.andi %ne3A_93, %ne3A_86 : vector<256x16xi1>
    %add3A_95 = vector.broadcast %select_n3A_81 : i32 to vector<256x16xi32>
    %add3A_96 = arith.addi %rem3A_83, %add3A_95 : vector<256x16xi32>
    %select_n3A_97 = arith.select %and3A_94, %add3A_96, %rem3A_83 : vector<256x16xi1>, vector<256x16xi32>
    %eq3A_98 = arith.cmpi eq, %select_n3A_97, %iota3A_76 : vector<256x16xi32>
    %convert_element_type3A_99 = arith.extui %eq3A_98 : vector<256x16xi1> to vector<256x16xi32>
    %convert_element_type3A_100 = arith.sitofp %convert_element_type3A_99 : vector<256x16xi32> to vector<256x16xf32>
    %dot_general3A_101 = arith.constant dense<0.000000e+00> : vector<8000x256xf32>
    %dot_general3A_102 = tpu.matmul %get3A_47, %convert_element_type3A_74, %dot_general3A_101 {dimension_numbers = #tpu.dot_dimension_numbers<[1], [0], [0], [1], [0, 0, 1, 1], [], []>, transpose_lhs_hint = false} : vector<8000x16xf32>, vector<16x256xf32>, vector<8000x256xf32> -> vector<8000x256xf32>
    %mul3A_103 = arith.mulf %dot_general3A_102, %logistic3A_44 : vector<8000x256xf32>
    %dot_general3A_104 = arith.constant dense<0.000000e+00> : vector<8000x16xf32>
    %dot_general3A_105 = tpu.matmul %mul3A_103, %convert_element_type3A_100, %dot_general3A_104 {dimension_numbers = #tpu.dot_dimension_numbers<[1], [0], [0], [1], [0, 0, 1, 1], [], []>, transpose_lhs_hint = false} : vector<8000x256xf32>, vector<256x16xf32>, vector<8000x16xf32> -> vector<8000x16xf32>
    %swap3A = arith.constant 0 : index
    %swap3A_106 = arith.constant 0 : index
    %swap3A_107 = vector.load %arg9[%swap3A, %swap3A_106] : memref<8000x16xf32, #tpu.memory_space<vmem>>, vector<8000x16xf32>
    tpu.vector_store %arg9[%swap3A, %swap3A_106], %dot_general3A_105 {strides = array<i32>} : memref<8000x16xf32, #tpu.memory_space<vmem>>, vector<8000x16xf32>,
    return
  }
  func.func @transform_0(%arg0: i32) -> (i32, i32) {
    %c0_i32 = arith.constant 0 : i32
    %c0_i32_0 = arith.constant 0 : i32
    return %arg0, %c0_i32 : i32, i32
  }
  func.func @transform_1(%arg0: i32) -> (i32, i32) {
    %c0_i32 = arith.constant 0 : i32
    %c0_i32_0 = arith.constant 0 : i32
    %c0_i32_1 = arith.constant 0 : i32
    return %c0_i32, %c0_i32_0 : i32, i32
  }
  func.func @transform_2(%arg0: i32) -> (i32, i32) {
    %c0_i32 = arith.constant 0 : i32
    %c0_i32_0 = arith.constant 0 : i32
    %c0_i32_1 = arith.constant 0 : i32
    return %c0_i32, %c0_i32_0 : i32, i32
  }
  func.func @transform_3(%arg0: i32) -> (i32, i32) {
    %c0_i32 = arith.constant 0 : i32
    %c0_i32_0 = arith.constant 0 : i32
    %c0_i32_1 = arith.constant 0 : i32
    return %c0_i32, %c0_i32_0 : i32, i32
  }
  func.func @transform_4(%arg0: i32) -> (i32, i32) {
    %c0_i32 = arith.constant 0 : i32
    %c0_i32_0 = arith.constant 0 : i32
    %c0_i32_1 = arith.constant 0 : i32
    return %c0_i32, %c0_i32_0 : i32, i32
  }
  func.func @transform_5(%arg0: i32) -> (i32, i32) {
    %c0_i32 = arith.constant 0 : i32
    %c0_i32_0 = arith.constant 0 : i32
    %c0_i32_1 = arith.constant 0 : i32
    return %c0_i32, %c0_i32_0 : i32, i32
  }
  func.func @transform_6(%arg0: i32) -> (i32, i32) {
    %c0_i32 = arith.constant 0 : i32
    %c0_i32_0 = arith.constant 0 : i32
    %c0_i32_1 = arith.constant 0 : i32
    return %c0_i32, %c0_i32_0 : i32, i32
  }
  func.func @transform_7(%arg0: i32) -> (i32, i32) {
    %c0_i32 = arith.constant 0 : i32
    %c0_i32_0 = arith.constant 0 : i32
    return %arg0, %c0_i32 : i32, i32
  }
  func.func @transform_8(%arg0: i32) -> (i32, i32) {
    %c0_i32 = arith.constant 0 : i32
    %c0_i32_0 = arith.constant 0 : i32
    return %arg0, %c0_i32 : i32, i32
  }
}

module attributes {stable_mosaic.version = 14 : i64} {
  func.func @_epi_body(%arg0: memref<2x1250x128xf32, #tpu.memory_space<vmem>>, %arg1: memref<2x1250x128xf32, #tpu.memory_space<vmem>>, %arg2: memref<1x128xf32, #tpu.memory_space<vmem>>, %arg3: memref<1250x128xf32, #tpu.memory_space<vmem>>) attributes {dimension_semantics = [], scalar_prefetch = 0 : i64, scratch_operands = 0 : i64, tpu.core_type = #tpu.core_type<tc>} {
    %get3A = arith.constant 0 : index
    %get3A_0 = arith.constant 0 : index
    %get3A_1 = arith.constant 0 : index
    %get3A_2 = vector.load %arg0[%get3A, %get3A_0, %get3A_1] : memref<2x1250x128xf32, #tpu.memory_space<vmem>>, vector<2x1250x128xf32>
    %get3A_3 = arith.constant 0 : index
    %get3A_4 = arith.constant 0 : index
    %get3A_5 = arith.constant 0 : index
    %get3A_6 = vector.load %arg1[%get3A_3, %get3A_4, %get3A_5] : memref<2x1250x128xf32, #tpu.memory_space<vmem>>, vector<2x1250x128xf32>
    %slice3A = vector.extract_strided_slice %get3A_6 {offsets = [0, 0, 0], sizes = [1, 1250, 128], strides = [1, 1, 1]} : vector<2x1250x128xf32> to vector<1x1250x128xf32>
    %squeeze3A = vector.shape_cast %slice3A : vector<1x1250x128xf32> to vector<1250x128xf32>
    %slice3A_7 = vector.extract_strided_slice %get3A_6 {offsets = [1, 0, 0], sizes = [1, 1250, 128], strides = [1, 1, 1]} : vector<2x1250x128xf32> to vector<1x1250x128xf32>
    %squeeze3A_8 = vector.shape_cast %slice3A_7 : vector<1x1250x128xf32> to vector<1250x128xf32>
    %add3A = arith.addf %squeeze3A, %squeeze3A_8 : vector<1250x128xf32>
    %max3A = arith.constant 1.000000e+00 : f32
    %max3A_9 = vector.broadcast %max3A : f32 to vector<1250x128xf32>
    %max3A_10 = arith.maximumf %add3A, %max3A_9 : vector<1250x128xf32>
    %slice3A_11 = vector.extract_strided_slice %get3A_2 {offsets = [0, 0, 0], sizes = [1, 1250, 128], strides = [1, 1, 1]} : vector<2x1250x128xf32> to vector<1x1250x128xf32>
    %squeeze3A_12 = vector.shape_cast %slice3A_11 : vector<1x1250x128xf32> to vector<1250x128xf32>
    %slice3A_13 = vector.extract_strided_slice %get3A_2 {offsets = [1, 0, 0], sizes = [1, 1250, 128], strides = [1, 1, 1]} : vector<2x1250x128xf32> to vector<1x1250x128xf32>
    %squeeze3A_14 = vector.shape_cast %slice3A_13 : vector<1x1250x128xf32> to vector<1250x128xf32>
    %add3A_15 = arith.addf %squeeze3A_12, %squeeze3A_14 : vector<1250x128xf32>
    %div3A = arith.divf %add3A_15, %max3A_10 : vector<1250x128xf32>
    %get3A_16 = arith.constant 0 : index
    %get3A_17 = arith.constant 0 : index
    %get3A_18 = vector.load %arg2[%get3A_16, %get3A_17] : memref<1x128xf32, #tpu.memory_space<vmem>>, vector<1x128xf32>
    %add3A_19 = vector.broadcast %get3A_18 : vector<1x128xf32> to vector<1250x128xf32>
    %add3A_20 = arith.addf %div3A, %add3A_19 : vector<1250x128xf32>
    %swap3A = arith.constant 0 : index
    %swap3A_21 = arith.constant 0 : index
    %swap3A_22 = vector.load %arg3[%swap3A, %swap3A_21] : memref<1250x128xf32, #tpu.memory_space<vmem>>, vector<1250x128xf32>
    tpu.vector_store %arg3[%swap3A, %swap3A_21], %add3A_20 {strides = array<i32>} : memref<1250x128xf32, #tpu.memory_space<vmem>>, vector<1250x128xf32>,
    return
  }
}

</mosaic_0001>

<sc_bundles>
// kernel: kernel.10.cloned.1.call-start
scs
__scs_entry_jumppad:
0x0: {  	(pc) =	sbr.rel $0x88, $3  }
0x1: {  	(tag) =	ssettag $0x0;
	lr =	simm.s32 $0x1  }
0x2: {  	[smem:$0x3F8B] =	sst lr;
	_ =	strace $0xD0000000  }
0x3: {  	_ = 	snop  }
0x4: {  	_ = 	snop  }
0x5: {  	_ = 	snop  }
0x6: {  	_ = 	snop  }
0x7: {  	_ = 	snop  }
__scs_overlays_trampoline_lowered:
0x8: {  	[smem:$0x3F9A] =	sst s0  }
0x9: {  	[smem:$0x3F9B] =	sst s1  }
0xa: {  	[smem:$0x3F9C] =	sst s2  }
0xb: {  	[smem:$0x3F9D] =	sst s3  }
0xc: {  	[smem:$0x3F9E] =	sst s4  }
0xd: {  	[smem:$0x3F9F] =	sst s5  }
0xe: {  	[smem:$0x3FA0] =	sst s6  }
0xf: {  	[smem:$0x3FA1] =	sst s7  }
0x10: {  	[smem:$0x3FA2] =	sst s8  }
0x11: {  	[smem:$0x3FA3] =	sst s9;
	s0 =	simm.s32 @!p0 $0x0  }
0x12: {  	s1 =	sld [smem:$0x3F89];
	s0 =	simm.s32 @p0 $0x1  }
0x13: {  	[smem:$0x3FA4] =	sst s0;
	s0 =	simm.s32 @!p1 $0x0  }
0x14: {  	s2 =	sld [smem:$0x3F88];
	s0 =	simm.s32 @p1 $0x1  }
0x15: {  	[smem:$0x3FA5] =	sst s0;
	s0 =	simm.s32 @!p2 $0x0  }
0x16: {  	s3 =	sld [smem:$0x3FDB];
	s0 =	simm.s32 @p2 $0x1  }
0x17: {  	s4 =	simm.s32 $0x1BF5;
	[smem:$0x3FA7] =	sst s0  }
0x18: {  	s0 =	sld [smem:$0x3F8A];
	_ =	swait.ge [sflag:s4], $0x0  }
0x19: {  	s7 =	sld [smem:$0x3F8B]  }
0x1a: {  	s8 =	sadd.s32 $0xFFFFE003, lr  }
0x1b: {  	s9 =	sadd.s32 $0xFFFFFEF7, lr;
	s5 =	simm.s32 $0xFFFFFFFF;
	p2 =	slt.u32 s8, $0xFFFFF086  }
0x1c: {  	p1 =	slt.u32 s9, $0xF7A;
	s5 =	simm.s32 @!p2 $0x0  }
0x1d: {  	s5 =	simm.s32 @p1 $0x1;
	p0 =	seq.s32 s7, s2  }
0x1e: {  	s7 =	smul.u32 @!p0 $0xF7A, s2;
	p2 =	seq.s32 @!p0 s5, $0x0  }
0x1f: {  	s9 =	smul.u32 $0xF7A, s1;
	s8 =	simm.s32 @!p0 $0x1BF5;
	p2 =	por !p2, p0  }
0x20: {  	[sflag:s8] =	ssyncset.s32 @!p0 $0xFFFFF086;
	s6 =	sadd.s32 @!p0 s3, s7;
	s7 =	simm.s32 @!p0 $0x108  }
0x21: {  	s3 =	sadd.s32 s3, s9;
	s6 =	sadd.s32 @!p0 $0x88, s6;
	s7 =	simm.s32 @p2 $0x1082  }
0x22: {  	[simem:s7], [sflag:s8] =	dma.local @!p0 [hbm:s6], $0xF7A  }
0x23: {  	s9 =	sor.u32 $0xD0000000, s2;
	s6 =	simm.s32 $0x108;
	_ =	swait.ge @!p0 [sflag:s8], $0x0  }
0x24: {  	s3 =	sadd.s32 $0x88, s3;
	s6 =	simm.s32 @!p1 $0x1082;
	[sflag:s4] =	ssyncset.s32 $0xFFFFF086  }
0x25: {  	[simem:s6], [sflag:s4] =	dma.local [hbm:s3], $0xF7A  }
0x26: {  	[smem:$0x3F8B] =	sst s1;
	(tag) =	ssettag s2;
	_ =	strace s9  }
0x27: {  	s1 =	sld [smem:$0x3F9B]  }
0x28: {  	s2 =	sld [smem:$0x3F9C]  }
0x29: {  	s4 =	sld [smem:$0x3F9E]  }
0x2a: {  	p0 =	seq.s32 s5, $0x0;
	s5 =	sld [smem:$0x3F9F]  }
0x2b: {  	s6 =	sld [smem:$0x3FA0]  }
0x2c: {  	s7 =	sld [smem:$0x3FA1]  }
0x2d: {  	s3 =	simm.s32 $0x108;
	s8 =	sld [smem:$0x3FA2]  }
0x2e: {  	s3 =	simm.s32 @!p0 $0x1082;
	s9 =	sld [smem:$0x3FA3]  }
0x2f: {  	lr =	sadd.s32 s0, s3;
	s0 =	sld [smem:$0x3F9A]  }
0x30: {  	s3 =	sld [smem:$0x3F9D]  }
0x31: {  	[smem:$0x3FA6] =	sst s10  }
0x32: {  	s10 =	sld [smem:$0x3FA4];
	_ =	sdelay $0x3  }
0x33: {  	p0 =	seq.s32 s10, $0x1;
	s10 =	sld [smem:$0x3FA6];
	_ =	sdelay $0x3  }
0x34: {  	[smem:$0x3FA6] =	sst s10  }
0x35: {  	s10 =	sld [smem:$0x3FA5];
	_ =	sdelay $0x3  }
0x36: {  	p1 =	seq.s32 s10, $0x1;
	s10 =	sld [smem:$0x3FA6];
	_ =	sdelay $0x3  }
0x37: {  	[smem:$0x3FA6] =	sst s10  }
0x38: {  	s10 =	sld [smem:$0x3FA7]  }
0x39: {  	_ = 	snop;
	(pc) =	sbr.ind lr, $3  }
0x3a: {  	_ = 	snop  }
0x3b: {  	_ = 	snop  }
0x3c: {  	p2 =	seq.s32 s10, $0x1;
	s10 =	sld [smem:$0x3FA6]  }
0x3d: {  	_ =	shalt  }
0x3e: {  	_ =	shalt  }
0x3f: {  	_ =	shalt  }
0x40: {  	_ =	shalt  }
0x41: {  	_ =	shalt  }
0x42: {  	_ =	shalt  }
0x43: {  	_ =	shalt  }
0x44: {  	_ =	shalt  }
0x45: {  	_ =	shalt  }
0x46: {  	_ =	shalt  }
0x47: {  	_ =	shalt  }
0x48: {  	_ =	shalt  }
0x49: {  	_ =	shalt  }
0x4a: {  	_ =	shalt  }
0x4b: {  	_ =	shalt  }
0x4c: {  	_ =	shalt  }
0x4d: {  	_ =	shalt  }
0x4e: {  	_ =	shalt  }
0x4f: {  	_ =	shalt  }
0x50: {  	_ =	shalt  }
0x51: {  	_ =	shalt  }
0x52: {  	_ =	shalt  }
0x53: {  	_ =	shalt  }
0x54: {  	_ =	shalt  }
0x55: {  	_ =	shalt  }
0x56: {  	_ =	shalt  }
0x57: {  	_ =	shalt  }
0x58: {  	_ =	shalt  }
0x59: {  	_ =	shalt  }
0x5a: {  	_ =	shalt  }
0x5b: {  	_ =	shalt  }
0x5c: {  	_ =	shalt  }
0x5d: {  	_ =	shalt  }
0x5e: {  	_ =	shalt  }
0x5f: {  	_ =	shalt  }
0x60: {  	_ =	shalt  }
0x61: {  	_ =	shalt  }
0x62: {  	_ =	shalt  }
0x63: {  	_ =	shalt  }
0x64: {  	_ =	shalt  }
0x65: {  	_ =	shalt  }
0x66: {  	_ =	shalt  }
0x67: {  	_ =	shalt  }
0x68: {  	_ =	shalt  }
0x69: {  	_ =	shalt  }
0x6a: {  	_ =	shalt  }
0x6b: {  	_ =	shalt  }
0x6c: {  	_ =	shalt  }
0x6d: {  	_ =	shalt  }
0x6e: {  	_ =	shalt  }
0x6f: {  	_ =	shalt  }
0x70: {  	_ =	shalt  }
0x71: {  	_ =	shalt  }
0x72: {  	_ =	shalt  }
0x73: {  	_ =	shalt  }
0x74: {  	_ =	shalt  }
0x75: {  	_ =	shalt  }
0x76: {  	_ =	shalt  }
0x77: {  	_ =	shalt  }
0x78: {  	_ =	shalt  }
0x79: {  	_ =	shalt  }
0x7a: {  	_ =	shalt  }
0x7b: {  	_ =	shalt  }
0x7c: {  	_ =	shalt  }
0x7d: {  	_ =	shalt  }
0x7e: {  	_ =	shalt  }
0x7f: {  	_ =	shalt  }
0x80: {  	_ =	shalt  }
0x81: {  	_ =	shalt  }
0x82: {  	_ =	shalt  }
0x83: {  	_ =	shalt  }
0x84: {  	_ =	shalt  }
0x85: {  	_ =	shalt  }
0x86: {  	_ =	shalt  }
0x87: {  	_ =	shalt  }
.Lfunc_end0:
.L_simem_size_0:
called_computation_lowered:
.L_overlay_start_0:
0x88: {  	s2 =	sld [smem:$0x3FD9]  }
0x89: {  	s3 =	sld [smem:$0x3FFE];
	_ =	sdelay $0x1  }
0x8a: {  	s1 =	srdreg.scid  }
0x8b: {  	s0 =	sand.u32 $0x1, s1  }
0x8c: {  	s17 =	sshll.u32 s0, $0xA;
	s2 =	sadd.s32 s3, s2  }
0x8d: {  	s2 =	sadd.s32 s2, s17  }
0x8e: {  	[smem:$0x3FB2] =	sst s2  }
0x8f: {  	_ = 	snop  }
0x90: {  	s2 =	sld [smem:$0x3FD0];
	(tm) =	ssettm $0x1  }
0x91: {  	s18 =	sld [smem:$0x3FFB];
	_ =	sdelay $0x3  }
0x92: {  	_ =	strace s18  }
0x93: {  	s3 =	sld [smem:$0x3FFC];
	_ =	sdelay $0x3  }
0x94: {  	_ =	strace s3  }
0x95: {  	s3 =	sld [smem:$0x3FFD];
	_ =	sdelay $0x3  }
0x96: {  	_ =	strace s3  }
0x97: {  	_ =	strace $0x8FFFFFFF  }
0x98: {  	s19 =	sld [smem:$0x3FDB];
	_ =	sdelay $0x1  }
0x99: {  	s4 =	simm.s32 $_scs_section_size  }
0x9a: {  	s5 =	simm.s32 $_size__tile_overlayer_lowered;
	s6 =	simm.s32 $_tile_overlayer_lowered  }
0x9b: {  	s22 =	simm.s32 $0x1BFF;
	s21 =	sshll.u32 s6, $0x1;
	s3 =	sadd.s32 s4, s19  }
0x9c: {  	s7 =	simm.s32 $0x0;
	s20 =	sshll.u32 s5, $0x1;
	s5 =	sadd.s32 s21, s3  }
0x9d: {  	[timem:s7], [sflag:s22] =	dma.local [hbm:s5], s20  }
0x9e: {  	_ =	swait.ge [sflag:s22], s20  }
0x9f: {  	s4 =	ssub.s32 $0x0, s20;
	[sflag:s22] =	ssyncset.done $0x0  }
0xa0: {  	[sflag:s22] =	ssyncadd.s32 s4;
	_ =	sdelay $0x1  }
0xa1: {  	s23 =	simm.s32 $0x1B8B  }
0xa2: {  	_ =	swait.ge [sflag:s23], $0x1  }
0xa3: {  	[sflag:s23] =	ssyncset.done $0x0  }
0xa4: {  	s25 =	simm.s32 $0x1B8E;
	s24 =	sld [smem:$0x3FFE];
	[sflag:s23] =	ssyncadd.s32 $0xFFFFFFFF  }
0xa5: {  	s26 =	simm.s32 $execute0_lowered;
	[smem:$0x3FD2] =	sst s25  }
0xa6: {  	s5 =	sshll.u32 s26, $0x1;
	_ =	strace $0x80000046;
	[dreg:$0x1] =	wrdreg $0xFFFFFFFF  }
0xa7: {  	s28 =	simm.s32 $_size_execute0_lowered;
	s3 =	sadd.s32 s3, s5;
	[dreg:$0x0] =	wrdreg $0x0  }
0xa8: {  	s5 =	sshll.u32 s28, $0x1;
	[dreg:$0x2] =	wrdreg s3  }
0xa9: {  	[dreg:$0x3] =	wrdreg s5  }
0xaa: {  	[dreg:$0x4] =	wrdreg $0xC0  }
0xab: {  	_ =	task [dreg:s7], $0x5FFFF  }
0xac: {  	[dreg:$0x1] =	wrdreg $0xFFFFFFFF  }
0xad: {  	[dreg:$0x0] =	wrdreg $0x60  }
0xae: {  	[dreg:$0x2] =	wrdreg s2  }
0xaf: {  	[dreg:$0x3] =	wrdreg s24  }
0xb0: {  	[dreg:$0x4] =	wrdreg $0x9  }
0xb1: {  	_ =	task.clear_ibuf [dreg:s7], $0x5FFFF;
	_ =	strace $0x90000046  }
0xb2: {  	s29 =	simm.s32 $0x9;
	_ =	strace $0x80000048  }
0xb3: {  	_ =	swait.ge [sflag:s29], $0x1  }
0xb4: {  	[sflag:s29] =	ssyncadd.s32 $0xFFFFFFFF  }
0xb5: {  	_ =	strace $0x90000048  }
0xb6: {  	_ =	sfence  }
0xb7: {  	s30 =	sld [smem:$0x0];
	_ =	sdelay $0x2  }
0xb8: {  	s31 =	sshll.u32 s1, $0xD;
	s1 =	sshrl.u32 s1, $0x2  }
0xb9: {  	s3 =	sand.u32 $0x4000, s31;
	s1 =	sadd.s32 s1, s30  }
0xba: {  	s0 =	sor.u32 s3, s0;
	s1 =	sshll.u32 s1, $0x11  }
0xbb: {  	s0 =	sor.u32 s1, s0  }
0xbc: {  	s0 =	sadd.s32 $0x8F2B, s0  }
0xbd: {  	[sflag:s0] =	ssyncadd.remote.s32 $0x1  }
0xbe: {  	_ =	sfence.sel $0xFFFF  }
0xbf: {  	[dreg:$0x0] =	wrdreg $0xFFFFFFFF;
	(pc) =	sbr.abs _section_cstart, $3  }
0xc0: {  	[dreg:$0x1] =	wrdreg $0xFFFFFFFF  }
0xc1: {  	_ =	task.clear_ibuf [dreg:s7], $0x2FFFF;
	_ =	strace $0x9FFFFFFF  }
0xc2: {  	(tm) =	ssettm $0x7FFFFFFF  }
0xc3: {  	_ =	shalt  }
tec
execute0_lowered:
.L_overlay_start_1:
0x0: {  	(tag) =	ssettag $0x1  }
0x1: {  	s1 =	srdreg.scid;
	s0 =	stileid.u32  }
0x2: {  	s16 =	sand.u32 $0x1, s1;
	s26 =	sshll.u32 s0, $0x1  }
0x3: {  	s2 =	rddreg [dreg:$0x0];
	s8 =	sor.u32 s16, s26  }
0x4: {  	s9 =	rddreg [dreg:$0x1];
	s17 =	smul.u32 $0x2710, s8  }
0x5: {  	s3 =	simm.s32 $0x0;
	s1 =	rddreg [dreg:$0x2]  }
0x6: {  	[smem:$0x7FF] =	sst s3;
	s15 =	sadd.s32 $0x3E00, s9;
	s4 =	sshrl.u32 s17, $0x3  }
0x7: {  	_ =	strace $0x80000047;
	s5 =	sadd.s32 s15, s4;
	s4 =	simm.s32 $0x2  }
0x8: {  	[tilespmem:s3], [sflag:$0x2] =	stream.linear.gather [hbm4b:s5+s3], $0x7D0, $0x38;
	[tilespmem:$0x84D0] =	vst v63  }
0x9: {  	_ =	swait.ge [sflag:s4], $0x7D0  }
0xa: {  	[sflag:s4] =	ssyncset.done $0x0  }
0xb: {  	s6 =	simm.s32 $0x7D0;
	s7 =	simm.s32 $0x1;
	[sflag:s4] =	ssyncadd.s32 $0xFFFFF830  }
0xc: {  	[tilespmem:s6], [sflag:$0x1] =	stream.indirect.gather [hbm4b:s2+s6], $0x10, s3, s6, $0xb8;
	[tilespmem:$0x84D0] =	vst v63  }
0xd: {  	s8 =	smul.u32 $0x4E20, s8;
	_ =	swait.ge [sflag:s7], $0x7D00  }
0xe: {  	s18 =	sadd.s32 $0x17A00, s9;
	[sflag:s7] =	ssyncset.done $0x0  }
0xf: {  	s8 =	sadd.s32 s18, s8;
	[sflag:s7] =	ssyncadd.s32 $0xFFFF8300  }
0x10: {  	[hbm4b:s8+s3] =	stream.linear.scatter [tilespmem:s6], [sflag:$0x2], $0x7D00, $0x38;
	[tilespmem:$0x84D0] =	vst v63  }
0x11: {  	s10 =	sadd.s32 $0x7D0, s17;
	_ =	swait.ge [sflag:s4], $0x7D00  }
0x12: {  	s28 =	sshrl.u32 s10, $0x3;
	[sflag:s4] =	ssyncset.done $0x0  }
0x13: {  	s9 =	sadd.s32 s15, s28;
	[sflag:s4] =	ssyncadd.s32 $0xFFFF8300  }
0x14: {  	[tilespmem:s3], [sflag:$0x2] =	stream.linear.gather [hbm4b:s9+s3], $0x7D0, $0x38;
	[tilespmem:$0x84D0] =	vst v63  }
0x15: {  	_ =	swait.ge [sflag:s4], $0x7D0  }
0x16: {  	[sflag:s4] =	ssyncset.done $0x0  }
0x17: {  	[sflag:s4] =	ssyncadd.s32 $0xFFFFF830  }
0x18: {  	[tilespmem:s6], [sflag:$0x1] =	stream.indirect.gather [hbm4b:s2+s6], $0x10, s3, s6, $0xb8;
	[tilespmem:$0x84D0] =	vst v63  }
0x19: {  	_ =	swait.ge [sflag:s7], $0x7D00  }
0x1a: {  	s10 =	sshll.u32 s10, $0x1;
	[sflag:s7] =	ssyncset.done $0x0  }
0x1b: {  	s10 =	sadd.s32 s18, s10;
	[sflag:s7] =	ssyncadd.s32 $0xFFFF8300  }
0x1c: {  	[hbm4b:s10+s3] =	stream.linear.scatter [tilespmem:s6], [sflag:$0x2], $0x7D00, $0x38;
	[tilespmem:$0x84D0] =	vst v63  }
0x1d: {  	s12 =	sadd.s32 $0xFA0, s17;
	_ =	swait.ge [sflag:s4], $0x7D00  }
0x1e: {  	s11 =	sshrl.u32 s12, $0x3;
	[sflag:s4] =	ssyncset.done $0x0  }
0x1f: {  	s11 =	sadd.s32 s15, s11;
	[sflag:s4] =	ssyncadd.s32 $0xFFFF8300  }
0x20: {  	[tilespmem:s3], [sflag:$0x2] =	stream.linear.gather [hbm4b:s11+s3], $0x7D0, $0x38;
	[tilespmem:$0x84D0] =	vst v63  }
0x21: {  	_ =	swait.ge [sflag:s4], $0x7D0  }
0x22: {  	[sflag:s4] =	ssyncset.done $0x0  }
0x23: {  	[sflag:s4] =	ssyncadd.s32 $0xFFFFF830  }
0x24: {  	[tilespmem:s6], [sflag:$0x1] =	stream.indirect.gather [hbm4b:s2+s6], $0x10, s3, s6, $0xb8;
	[tilespmem:$0x84D0] =	vst v63  }
0x25: {  	_ =	swait.ge [sflag:s7], $0x7D00  }
0x26: {  	s12 =	sshll.u32 s12, $0x1;
	[sflag:s7] =	ssyncset.done $0x0  }
0x27: {  	s12 =	sadd.s32 s18, s12;
	[sflag:s7] =	ssyncadd.s32 $0xFFFF8300  }
0x28: {  	[hbm4b:s12+s3] =	stream.linear.scatter [tilespmem:s6], [sflag:$0x2], $0x7D00, $0x38;
	[tilespmem:$0x84D0] =	vst v63  }
0x29: {  	s14 =	sadd.s32 $0x1770, s17;
	_ =	swait.ge [sflag:s4], $0x7D00  }
0x2a: {  	s13 =	sshrl.u32 s14, $0x3;
	[sflag:s4] =	ssyncset.done $0x0  }
0x2b: {  	s13 =	sadd.s32 s15, s13;
	[sflag:s4] =	ssyncadd.s32 $0xFFFF8300  }
0x2c: {  	[tilespmem:s3], [sflag:$0x2] =	stream.linear.gather [hbm4b:s13+s3], $0x7D0, $0x38;
	[tilespmem:$0x84D0] =	vst v63  }
0x2d: {  	_ =	swait.ge [sflag:s4], $0x7D0  }
0x2e: {  	[sflag:s4] =	ssyncset.done $0x0  }
0x2f: {  	[sflag:s4] =	ssyncadd.s32 $0xFFFFF830  }
0x30: {  	[tilespmem:s6], [sflag:$0x1] =	stream.indirect.gather [hbm4b:s2+s6], $0x10, s3, s6, $0xb8;
	[tilespmem:$0x84D0] =	vst v63  }
0x31: {  	_ =	swait.ge [sflag:s7], $0x7D00  }
0x32: {  	s14 =	sshll.u32 s14, $0x1;
	[sflag:s7] =	ssyncset.done $0x0  }
0x33: {  	s14 =	sadd.s32 s18, s14;
	[sflag:s7] =	ssyncadd.s32 $0xFFFF8300  }
0x34: {  	[hbm4b:s14+s3] =	stream.linear.scatter [tilespmem:s6], [sflag:$0x2], $0x7D00, $0x38;
	[tilespmem:$0x84D0] =	vst v63  }
0x35: {  	s17 =	sadd.s32 $0x1F40, s17;
	_ =	swait.ge [sflag:s4], $0x7D00  }
0x36: {  	s19 =	sshrl.u32 s17, $0x3;
	[sflag:s4] =	ssyncset.done $0x0  }
0x37: {  	s16 =	ssub.s32 $0x2, s16;
	s15 =	sadd.s32 s15, s19;
	[sflag:s4] =	ssyncadd.s32 $0xFFFF8300  }
0x38: {  	[tilespmem:s3], [sflag:$0x2] =	stream.linear.gather [hbm4b:s15+s3], $0x7D0, $0x38;
	[tilespmem:$0x84D0] =	vst v63  }
0x39: {  	s29 =	sshrl.u32 s16, $0x1;
	_ =	swait.ge [sflag:s4], $0x7D0  }
0x3a: {  	s19 =	ssub.s32 s16, s29;
	[sflag:s4] =	ssyncset.done $0x0  }
0x3b: {  	s31 =	smax.u32 s19, $0x1;
	[sflag:s4] =	ssyncadd.s32 $0xFFFFF830  }
0x3c: {  	[tilespmem:s6], [sflag:$0x1] =	stream.indirect.gather [hbm4b:s2+s6], $0x10, s3, s6, $0xb8;
	[tilespmem:$0x84D0] =	vst v63  }
0x3d: {  	p0 =	sne.s32 s31, $0x1;
	_ =	swait.ge [sflag:s7], $0x7D00  }
.Ltmp0:
0x3e: {  	s30 =	sshll.u32 s17, $0x1;
	[sflag:s7] =	ssyncset.done $0x0;
	(pc) =	sbr.rel @!p0 .LBB2_2-.Ltmp0, $4  }
0x3f: {  	s16 =	sadd.s32 s18, s30;
	[sflag:s7] =	ssyncadd.s32 $0xFFFF8300  }
0x40: {  	[hbm4b:s16+s3] =	stream.linear.scatter [tilespmem:s6], [sflag:$0x2], $0x7D00, $0x38;
	[tilespmem:$0x84D0] =	vst v63  }
0x41: {  	_ =	swait.ge [sflag:s4], $0x7D00  }
0x42: {  	s17 =	sadd.s32 $0xFFFFFFFF, s31;
	[sflag:s4] =	ssyncset.done $0x0  }
.LBB2_1:
0x43: {  	p0 =	sne.s32 s17, $0x1;
	s17 =	sadd.s32 $0xFFFFFFFF, s17;
	[sflag:s4] =	ssyncadd.s32 $0xFFFF8300  }
0x44: {  	[tilespmem:s3], [sflag:$0x2] =	stream.linear.gather [hbm4b:s5+s3], $0x7D0, $0x38;
	[tilespmem:$0x84D0] =	vst v63  }
0x45: {  	_ =	swait.ge [sflag:s4], $0x7D0  }
0x46: {  	[sflag:s4] =	ssyncset.done $0x0  }
0x47: {  	[sflag:s4] =	ssyncadd.s32 $0xFFFFF830  }
0x48: {  	[tilespmem:s6], [sflag:$0x1] =	stream.indirect.gather [hbm4b:s2+s6], $0x10, s3, s6, $0xb8;
	[tilespmem:$0x84D0] =	vst v63  }
0x49: {  	_ =	swait.ge [sflag:s7], $0x7D00  }
0x4a: {  	[sflag:s7] =	ssyncset.done $0x0  }
0x4b: {  	[sflag:s7] =	ssyncadd.s32 $0xFFFF8300  }
0x4c: {  	[hbm4b:s8+s3] =	stream.linear.scatter [tilespmem:s6], [sflag:$0x2], $0x7D00, $0x38;
	[tilespmem:$0x84D0] =	vst v63  }
0x4d: {  	_ =	swait.ge [sflag:s4], $0x7D00  }
0x4e: {  	[sflag:s4] =	ssyncset.done $0x0  }
0x4f: {  	[sflag:s4] =	ssyncadd.s32 $0xFFFF8300  }
0x50: {  	[tilespmem:s3], [sflag:$0x2] =	stream.linear.gather [hbm4b:s9+s3], $0x7D0, $0x38;
	[tilespmem:$0x84D0] =	vst v63  }
0x51: {  	_ =	swait.ge [sflag:s4], $0x7D0  }
0x52: {  	[sflag:s4] =	ssyncset.done $0x0  }
0x53: {  	[sflag:s4] =	ssyncadd.s32 $0xFFFFF830  }
0x54: {  	[tilespmem:s6], [sflag:$0x1] =	stream.indirect.gather [hbm4b:s2+s6], $0x10, s3, s6, $0xb8;
	[tilespmem:$0x84D0] =	vst v63  }
0x55: {  	_ =	swait.ge [sflag:s7], $0x7D00  }
0x56: {  	[sflag:s7] =	ssyncset.done $0x0  }
0x57: {  	[sflag:s7] =	ssyncadd.s32 $0xFFFF8300  }
0x58: {  	[hbm4b:s10+s3] =	stream.linear.scatter [tilespmem:s6], [sflag:$0x2], $0x7D00, $0x38;
	[tilespmem:$0x84D0] =	vst v63  }
0x59: {  	_ =	swait.ge [sflag:s4], $0x7D00  }
0x5a: {  	[sflag:s4] =	ssyncset.done $0x0  }
0x5b: {  	[sflag:s4] =	ssyncadd.s32 $0xFFFF8300  }
0x5c: {  	[tilespmem:s3], [sflag:$0x2] =	stream.linear.gather [hbm4b:s11+s3], $0x7D0, $0x38;
	[tilespmem:$0x84D0] =	vst v63  }
0x5d: {  	_ =	swait.ge [sflag:s4], $0x7D0  }
0x5e: {  	[sflag:s4] =	ssyncset.done $0x0  }
0x5f: {  	[sflag:s4] =	ssyncadd.s32 $0xFFFFF830  }
0x60: {  	[tilespmem:s6], [sflag:$0x1] =	stream.indirect.gather [hbm4b:s2+s6], $0x10, s3, s6, $0xb8;
	[tilespmem:$0x84D0] =	vst v63  }
0x61: {  	_ =	swait.ge [sflag:s7], $0x7D00  }
0x62: {  	[sflag:s7] =	ssyncset.done $0x0  }
0x63: {  	[sflag:s7] =	ssyncadd.s32 $0xFFFF8300  }
0x64: {  	[hbm4b:s12+s3] =	stream.linear.scatter [tilespmem:s6], [sflag:$0x2], $0x7D00, $0x38;
	[tilespmem:$0x84D0] =	vst v63  }
0x65: {  	_ =	swait.ge [sflag:s4], $0x7D00  }
0x66: {  	[sflag:s4] =	ssyncset.done $0x0  }
0x67: {  	[sflag:s4] =	ssyncadd.s32 $0xFFFF8300  }
0x68: {  	[tilespmem:s3], [sflag:$0x2] =	stream.linear.gather [hbm4b:s13+s3], $0x7D0, $0x38;
	[tilespmem:$0x84D0] =	vst v63  }
0x69: {  	_ =	swait.ge [sflag:s4], $0x7D0  }
0x6a: {  	[sflag:s4] =	ssyncset.done $0x0  }
0x6b: {  	[sflag:s4] =	ssyncadd.s32 $0xFFFFF830  }
0x6c: {  	[tilespmem:s6], [sflag:$0x1] =	stream.indirect.gather [hbm4b:s2+s6], $0x10, s3, s6, $0xb8;
	[tilespmem:$0x84D0] =	vst v63  }
0x6d: {  	_ =	swait.ge [sflag:s7], $0x7D00  }
0x6e: {  	[sflag:s7] =	ssyncset.done $0x0  }
0x6f: {  	[sflag:s7] =	ssyncadd.s32 $0xFFFF8300  }
0x70: {  	[hbm4b:s14+s3] =	stream.linear.scatter [tilespmem:s6], [sflag:$0x2], $0x7D00, $0x38;
	[tilespmem:$0x84D0] =	vst v63  }
0x71: {  	_ =	swait.ge [sflag:s4], $0x7D00  }
0x72: {  	[sflag:s4] =	ssyncset.done $0x0  }
0x73: {  	[sflag:s4] =	ssyncadd.s32 $0xFFFF8300  }
0x74: {  	[tilespmem:s3], [sflag:$0x2] =	stream.linear.gather [hbm4b:s15+s3], $0x7D0, $0x38;
	[tilespmem:$0x84D0] =	vst v63  }
0x75: {  	_ =	swait.ge [sflag:s4], $0x7D0  }
0x76: {  	[sflag:s4] =	ssyncset.done $0x0  }
0x77: {  	[sflag:s4] =	ssyncadd.s32 $0xFFFFF830  }
0x78: {  	[tilespmem:s6], [sflag:$0x1] =	stream.indirect.gather [hbm4b:s2+s6], $0x10, s3, s6, $0xb8;
	[tilespmem:$0x84D0] =	vst v63  }
0x79: {  	_ =	swait.ge [sflag:s7], $0x7D00  }
.Ltmp1:
0x7a: {  	[sflag:s7] =	ssyncset.done $0x0;
	(pc) =	sbr.rel @p0 .LBB2_1-.Ltmp1, $4  }
0x7b: {  	[sflag:s7] =	ssyncadd.s32 $0xFFFF8300  }
0x7c: {  	[hbm4b:s16+s3] =	stream.linear.scatter [tilespmem:s6], [sflag:$0x2], $0x7D00, $0x38;
	[tilespmem:$0x84D0] =	vst v63  }
0x7d: {  	_ =	swait.ge [sflag:s4], $0x7D00  }
0x7e: {  	[sflag:s4] =	ssyncset.done $0x0  }
.LBB2_2:
0x7f: {  	[sflag:s4] =	ssyncadd.s32 $0xFFFF8300  }
0x80: {  	_ =	sfence.sel $0x180000  }
0x81: {  	[bflag:$0x0] =	sbarrier.arrive $0xFFFF  }
0x82: {  	p0 =	sne.s32 s0, $0x0;
	_ =	strace $0x90000047  }
0x83: {  	s0 =	sadd.s32 @!p0 $0x100000, s1;
	[bflag:$0x2] =	sbarrier.arrive $0xFFFF  }
0x84: {  	[sflag:s0] =	ssyncadd.tile.s32 @!p0 $0x1;
	_ =	shalt  }
.Lfunc_end2:
_tile_overlayer_lowered:
.L_overlay_start_2:
0x85: {  	(tag) =	ssettag $0x2  }
0x86: {  	s0 =	rddreg [dreg:$0x0];
	s2 =	stileid.u32  }
0x87: {  	s1 =	rddreg [dreg:$0x1];
	p0 =	sne.s32 s2, $0x0  }
0x88: {  	s3 =	rddreg [dreg:$0x2];
	[bflag:$0x3] =	sbarrier.arrive $0xFFFF;
	s2 =	simm.s32 @!p0 $0x1C02  }
0x89: {  	[timem:s3], [sflag:s2] =	dma.local @!p0 [hbm:s0], s1  }
0x8a: {  	s0 =	simm.s32 @!p0 $0x2  }
0x8b: {  	_ =	swait.ge @!p0 [sflag:s0], s1  }
0x8c: {  	s1 =	ssub.s32 @!p0 $0x0, s1;
	[sflag:s0] =	ssyncset.done @!p0 $0x0  }
0x8d: {  	[sflag:s0] =	ssyncadd.s32 @!p0 s1  }
0x8e: {  	[bflag:$0x3] =	sbarrier.arrive $0xFFFF  }
0x8f: {  	_ =	shalt  }

// kernel: kernel.13.cloned.1.call-start
scs
__scs_entry_jumppad:
0x0: {  	(pc) =	sbr.rel $0x88, $3  }
0x1: {  	(tag) =	ssettag $0x0;
	lr =	simm.s32 $0x1  }
0x2: {  	[smem:$0x3F8B] =	sst lr;
	_ =	strace $0xD0000000  }
0x3: {  	_ = 	snop  }
0x4: {  	_ = 	snop  }
0x5: {  	_ = 	snop  }
0x6: {  	_ = 	snop  }
0x7: {  	_ = 	snop  }
__scs_overlays_trampoline_lowered:
0x8: {  	[smem:$0x3F9A] =	sst s0  }
0x9: {  	[smem:$0x3F9B] =	sst s1  }
0xa: {  	[smem:$0x3F9C] =	sst s2  }
0xb: {  	[smem:$0x3F9D] =	sst s3  }
0xc: {  	[smem:$0x3F9E] =	sst s4  }
0xd: {  	[smem:$0x3F9F] =	sst s5  }
0xe: {  	[smem:$0x3FA0] =	sst s6  }
0xf: {  	[smem:$0x3FA1] =	sst s7  }
0x10: {  	[smem:$0x3FA2] =	sst s8  }
0x11: {  	[smem:$0x3FA3] =	sst s9;
	s0 =	simm.s32 @!p0 $0x0  }
0x12: {  	s1 =	sld [smem:$0x3F89];
	s0 =	simm.s32 @p0 $0x1  }
0x13: {  	[smem:$0x3FA4] =	sst s0;
	s0 =	simm.s32 @!p1 $0x0  }
0x14: {  	s2 =	sld [smem:$0x3F88];
	s0 =	simm.s32 @p1 $0x1  }
0x15: {  	[smem:$0x3FA5] =	sst s0;
	s0 =	simm.s32 @!p2 $0x0  }
0x16: {  	s3 =	sld [smem:$0x3FDB];
	s0 =	simm.s32 @p2 $0x1  }
0x17: {  	s4 =	simm.s32 $0x1BF5;
	[smem:$0x3FA7] =	sst s0  }
0x18: {  	s0 =	sld [smem:$0x3F8A];
	_ =	swait.ge [sflag:s4], $0x0  }
0x19: {  	s7 =	sld [smem:$0x3F8B]  }
0x1a: {  	s8 =	sadd.s32 $0xFFFFE003, lr  }
0x1b: {  	s9 =	sadd.s32 $0xFFFFFEF7, lr;
	s5 =	simm.s32 $0xFFFFFFFF;
	p2 =	slt.u32 s8, $0xFFFFF086  }
0x1c: {  	p1 =	slt.u32 s9, $0xF7A;
	s5 =	simm.s32 @!p2 $0x0  }
0x1d: {  	s5 =	simm.s32 @p1 $0x1;
	p0 =	seq.s32 s7, s2  }
0x1e: {  	s7 =	smul.u32 @!p0 $0xF7A, s2;
	p2 =	seq.s32 @!p0 s5, $0x0  }
0x1f: {  	s9 =	smul.u32 $0xF7A, s1;
	s8 =	simm.s32 @!p0 $0x1BF5;
	p2 =	por !p2, p0  }
0x20: {  	[sflag:s8] =	ssyncset.s32 @!p0 $0xFFFFF086;
	s6 =	sadd.s32 @!p0 s3, s7;
	s7 =	simm.s32 @!p0 $0x108  }
0x21: {  	s3 =	sadd.s32 s3, s9;
	s6 =	sadd.s32 @!p0 $0x88, s6;
	s7 =	simm.s32 @p2 $0x1082  }
0x22: {  	[simem:s7], [sflag:s8] =	dma.local @!p0 [hbm:s6], $0xF7A  }
0x23: {  	s9 =	sor.u32 $0xD0000000, s2;
	s6 =	simm.s32 $0x108;
	_ =	swait.ge @!p0 [sflag:s8], $0x0  }
0x24: {  	s3 =	sadd.s32 $0x88, s3;
	s6 =	simm.s32 @!p1 $0x1082;
	[sflag:s4] =	ssyncset.s32 $0xFFFFF086  }
0x25: {  	[simem:s6], [sflag:s4] =	dma.local [hbm:s3], $0xF7A  }
0x26: {  	[smem:$0x3F8B] =	sst s1;
	(tag) =	ssettag s2;
	_ =	strace s9  }
0x27: {  	s1 =	sld [smem:$0x3F9B]  }
0x28: {  	s2 =	sld [smem:$0x3F9C]  }
0x29: {  	s4 =	sld [smem:$0x3F9E]  }
0x2a: {  	p0 =	seq.s32 s5, $0x0;
	s5 =	sld [smem:$0x3F9F]  }
0x2b: {  	s6 =	sld [smem:$0x3FA0]  }
0x2c: {  	s7 =	sld [smem:$0x3FA1]  }
0x2d: {  	s3 =	simm.s32 $0x108;
	s8 =	sld [smem:$0x3FA2]  }
0x2e: {  	s3 =	simm.s32 @!p0 $0x1082;
	s9 =	sld [smem:$0x3FA3]  }
0x2f: {  	lr =	sadd.s32 s0, s3;
	s0 =	sld [smem:$0x3F9A]  }
0x30: {  	s3 =	sld [smem:$0x3F9D]  }
0x31: {  	[smem:$0x3FA6] =	sst s10  }
0x32: {  	s10 =	sld [smem:$0x3FA4];
	_ =	sdelay $0x3  }
0x33: {  	p0 =	seq.s32 s10, $0x1;
	s10 =	sld [smem:$0x3FA6];
	_ =	sdelay $0x3  }
0x34: {  	[smem:$0x3FA6] =	sst s10  }
0x35: {  	s10 =	sld [smem:$0x3FA5];
	_ =	sdelay $0x3  }
0x36: {  	p1 =	seq.s32 s10, $0x1;
	s10 =	sld [smem:$0x3FA6];
	_ =	sdelay $0x3  }
0x37: {  	[smem:$0x3FA6] =	sst s10  }
0x38: {  	s10 =	sld [smem:$0x3FA7]  }
0x39: {  	_ = 	snop;
	(pc) =	sbr.ind lr, $3  }
0x3a: {  	_ = 	snop  }
0x3b: {  	_ = 	snop  }
0x3c: {  	p2 =	seq.s32 s10, $0x1;
	s10 =	sld [smem:$0x3FA6]  }
0x3d: {  	_ =	shalt  }
0x3e: {  	_ =	shalt  }
0x3f: {  	_ =	shalt  }
0x40: {  	_ =	shalt  }
0x41: {  	_ =	shalt  }
0x42: {  	_ =	shalt  }
0x43: {  	_ =	shalt  }
0x44: {  	_ =	shalt  }
0x45: {  	_ =	shalt  }
0x46: {  	_ =	shalt  }
0x47: {  	_ =	shalt  }
0x48: {  	_ =	shalt  }
0x49: {  	_ =	shalt  }
0x4a: {  	_ =	shalt  }
0x4b: {  	_ =	shalt  }
0x4c: {  	_ =	shalt  }
0x4d: {  	_ =	shalt  }
0x4e: {  	_ =	shalt  }
0x4f: {  	_ =	shalt  }
0x50: {  	_ =	shalt  }
0x51: {  	_ =	shalt  }
0x52: {  	_ =	shalt  }
0x53: {  	_ =	shalt  }
0x54: {  	_ =	shalt  }
0x55: {  	_ =	shalt  }
0x56: {  	_ =	shalt  }
0x57: {  	_ =	shalt  }
0x58: {  	_ =	shalt  }
0x59: {  	_ =	shalt  }
0x5a: {  	_ =	shalt  }
0x5b: {  	_ =	shalt  }
0x5c: {  	_ =	shalt  }
0x5d: {  	_ =	shalt  }
0x5e: {  	_ =	shalt  }
0x5f: {  	_ =	shalt  }
0x60: {  	_ =	shalt  }
0x61: {  	_ =	shalt  }
0x62: {  	_ =	shalt  }
0x63: {  	_ =	shalt  }
0x64: {  	_ =	shalt  }
0x65: {  	_ =	shalt  }
0x66: {  	_ =	shalt  }
0x67: {  	_ =	shalt  }
0x68: {  	_ =	shalt  }
0x69: {  	_ =	shalt  }
0x6a: {  	_ =	shalt  }
0x6b: {  	_ =	shalt  }
0x6c: {  	_ =	shalt  }
0x6d: {  	_ =	shalt  }
0x6e: {  	_ =	shalt  }
0x6f: {  	_ =	shalt  }
0x70: {  	_ =	shalt  }
0x71: {  	_ =	shalt  }
0x72: {  	_ =	shalt  }
0x73: {  	_ =	shalt  }
0x74: {  	_ =	shalt  }
0x75: {  	_ =	shalt  }
0x76: {  	_ =	shalt  }
0x77: {  	_ =	shalt  }
0x78: {  	_ =	shalt  }
0x79: {  	_ =	shalt  }
0x7a: {  	_ =	shalt  }
0x7b: {  	_ =	shalt  }
0x7c: {  	_ =	shalt  }
0x7d: {  	_ =	shalt  }
0x7e: {  	_ =	shalt  }
0x7f: {  	_ =	shalt  }
0x80: {  	_ =	shalt  }
0x81: {  	_ =	shalt  }
0x82: {  	_ =	shalt  }
0x83: {  	_ =	shalt  }
0x84: {  	_ =	shalt  }
0x85: {  	_ =	shalt  }
0x86: {  	_ =	shalt  }
0x87: {  	_ =	shalt  }
.Lfunc_end0:
.L_simem_size_0:
called_computation.1_lowered:
.L_overlay_start_0:
0x88: {  	s2 =	sld [smem:$0x3FD9]  }
0x89: {  	s3 =	sld [smem:$0x3FFE];
	_ =	sdelay $0x1  }
0x8a: {  	s1 =	srdreg.scid  }
0x8b: {  	s0 =	sand.u32 $0x1, s1  }
0x8c: {  	s17 =	sshll.u32 s0, $0xA;
	s2 =	sadd.s32 s3, s2  }
0x8d: {  	s2 =	sadd.s32 s2, s17  }
0x8e: {  	[smem:$0x3FB2] =	sst s2  }
0x8f: {  	_ = 	snop  }
0x90: {  	s2 =	sld [smem:$0x3FD0];
	(tm) =	ssettm $0x1  }
0x91: {  	s18 =	sld [smem:$0x3FFB];
	_ =	sdelay $0x3  }
0x92: {  	_ =	strace s18  }
0x93: {  	s3 =	sld [smem:$0x3FFC];
	_ =	sdelay $0x3  }
0x94: {  	_ =	strace s3  }
0x95: {  	s3 =	sld [smem:$0x3FFD];
	_ =	sdelay $0x3  }
0x96: {  	_ =	strace s3  }
0x97: {  	_ =	strace $0x8FFFFFFF  }
0x98: {  	s19 =	sld [smem:$0x3FDB];
	_ =	sdelay $0x1  }
0x99: {  	s4 =	simm.s32 $_scs_section_size  }
0x9a: {  	s5 =	simm.s32 $_size__tile_overlayer_lowered;
	s6 =	simm.s32 $_tile_overlayer_lowered  }
0x9b: {  	s22 =	simm.s32 $0x1BFF;
	s21 =	sshll.u32 s6, $0x1;
	s3 =	sadd.s32 s4, s19  }
0x9c: {  	s7 =	simm.s32 $0x0;
	s20 =	sshll.u32 s5, $0x1;
	s5 =	sadd.s32 s21, s3  }
0x9d: {  	[timem:s7], [sflag:s22] =	dma.local [hbm:s5], s20  }
0x9e: {  	_ =	swait.ge [sflag:s22], s20  }
0x9f: {  	s4 =	ssub.s32 $0x0, s20;
	[sflag:s22] =	ssyncset.done $0x0  }
0xa0: {  	[sflag:s22] =	ssyncadd.s32 s4;
	_ =	sdelay $0x1  }
0xa1: {  	s23 =	simm.s32 $0x1B8B  }
0xa2: {  	_ =	swait.ge [sflag:s23], $0x1  }
0xa3: {  	[sflag:s23] =	ssyncset.done $0x0  }
0xa4: {  	s25 =	simm.s32 $0x1B8E;
	s24 =	sld [smem:$0x3FFE];
	[sflag:s23] =	ssyncadd.s32 $0xFFFFFFFF  }
0xa5: {  	s26 =	simm.s32 $execute0_lowered;
	[smem:$0x3FD2] =	sst s25  }
0xa6: {  	s5 =	sshll.u32 s26, $0x1;
	_ =	strace $0x80000049;
	[dreg:$0x1] =	wrdreg $0xFFFFFFFF  }
0xa7: {  	s28 =	simm.s32 $_size_execute0_lowered;
	s3 =	sadd.s32 s3, s5;
	[dreg:$0x0] =	wrdreg $0x0  }
0xa8: {  	s5 =	sshll.u32 s28, $0x1;
	[dreg:$0x2] =	wrdreg s3  }
0xa9: {  	[dreg:$0x3] =	wrdreg s5  }
0xaa: {  	[dreg:$0x4] =	wrdreg $0xC0  }
0xab: {  	_ =	task [dreg:s7], $0x5FFFF  }
0xac: {  	[dreg:$0x1] =	wrdreg $0xFFFFFFFF  }
0xad: {  	[dreg:$0x0] =	wrdreg $0x60  }
0xae: {  	[dreg:$0x2] =	wrdreg s24  }
0xaf: {  	[dreg:$0x3] =	wrdreg s2  }
0xb0: {  	[dreg:$0x4] =	wrdreg $0x101D00  }
0xb1: {  	[dreg:$0x5] =	wrdreg $0x128E00  }
0xb2: {  	[dreg:$0x6] =	wrdreg $0x9  }
0xb3: {  	_ =	task.clear_ibuf [dreg:s7], $0x7FFFF;
	_ =	strace $0x90000049  }
0xb4: {  	s29 =	simm.s32 $0x9;
	_ =	strace $0x8000004B  }
0xb5: {  	_ =	swait.ge [sflag:s29], $0x1  }
0xb6: {  	[sflag:s29] =	ssyncadd.s32 $0xFFFFFFFF  }
0xb7: {  	_ =	strace $0x9000004B  }
0xb8: {  	_ =	sfence  }
0xb9: {  	s30 =	sld [smem:$0x0];
	_ =	sdelay $0x2  }
0xba: {  	s31 =	sshll.u32 s1, $0xD;
	s1 =	sshrl.u32 s1, $0x2  }
0xbb: {  	s3 =	sand.u32 $0x4000, s31;
	s1 =	sadd.s32 s1, s30  }
0xbc: {  	s0 =	sor.u32 s3, s0;
	s1 =	sshll.u32 s1, $0x11  }
0xbd: {  	s0 =	sor.u32 s1, s0  }
0xbe: {  	s0 =	sadd.s32 $0x8F2B, s0  }
0xbf: {  	[sflag:s0] =	ssyncadd.remote.s32 $0x1  }
0xc0: {  	_ =	sfence.sel $0xFFFF  }
0xc1: {  	[dreg:$0x0] =	wrdreg $0xFFFFFFFF;
	(pc) =	sbr.abs _section_cstart, $3  }
0xc2: {  	[dreg:$0x1] =	wrdreg $0xFFFFFFFF  }
0xc3: {  	_ =	task.clear_ibuf [dreg:s7], $0x2FFFF;
	_ =	strace $0x9FFFFFFF  }
0xc4: {  	(tm) =	ssettm $0x7FFFFFFF  }
0xc5: {  	_ =	shalt  }
tec
execute0_lowered:
.L_overlay_start_1:
0x0: {  	(tag) =	ssettag $0x1  }
0x1: {  	s4 =	rddreg [dreg:$0x0]  }
0x2: {  	s18 =	rddreg [dreg:$0x1]  }
0x3: {  	s3 =	rddreg [dreg:$0x2]  }
0x4: {  	s1 =	rddreg [dreg:$0x3]  }
0x5: {  	s0 =	rddreg [dreg:$0x4];
	s2 =	simm.s32 $0x0  }
0x6: {  	s5 =	srdreg.scid;
	s6 =	stileid.u32;
	p1 =	por $0x0, $0x0  }
0x7: {  	[smem:$0x7FF] =	sst s2;
	s5 =	sand.u32 $0x1, s5;
	s7 =	sadd.s32 $0x17A00, s4  }
0x8: {  	s9 =	sshll.u32 s6, $0x1;
	s10 =	sadd.s32 $0xDC00, s4;
	s21 =	sadd.s32 $0x3E00, s4  }
0x9: {  	p0 =	sne.s32 s6, $0x0;
	_ =	strace $0x8000004A;
	s8 =	smul.u32 $0x4E20, s5  }
0xa: {  	s11 =	ssub.s32 $0x2, s5;
	s9 =	sor.u32 s5, s9;
	s6 =	simm.s32 @!p0 $0x1  }
0xb: {  	s17 =	sshrl.u32 s11, $0x1;
	s12 =	smul.u32 $0x2710, s9;
	s8 =	sadd.s32 s8, s4  }
0xc: {  	s9 =	smul.u32 $0x4E20, s9;
	s11 =	ssub.s32 s11, s17;
	s5 =	sadd.s32 $0xB3E00, s8  }
0xd: {  	s4 =	sadd.s32 $0xBDC00, s8;
	s19 =	sshrl.u32 s12, $0x3;
	s11 =	smax.u32 s11, $0x1  }
0xe: {  	s20 =	sadd.s32 $0x7D0, s12;
	s22 =	sadd.s32 s7, s9;
	s25 =	sadd.s32 $0xFA0, s12  }
0xf: {  	s13 =	sadd.s32 $0x1770, s12;
	s30 =	sadd.s32 $0x1F40, s12;
	s23 =	sadd.s32 s10, s19  }
0x10: {  	s24 =	sshrl.u32 s20, $0x3;
	s8 =	sshll.u32 s20, $0x1;
	s26 =	sshrl.u32 s25, $0x3  }
0x11: {  	s19 =	sadd.s32 s7, s8;
	s8 =	sshll.u32 s25, $0x1;
	s25 =	sadd.s32 $0xFFFFFFFF, s11  }
0x12: {  	s28 =	sshrl.u32 s13, $0x3;
	s29 =	sshll.u32 s13, $0x1;
	p2 =	sne.s32 s25, $0x0  }
.Ltmp0:
0x13: {  	s31 =	sshrl.u32 s30, $0x3;
	s9 =	sshll.u32 s30, $0x1;
	(pc) =	sbr.rel @!p2 .LBB2_1-.Ltmp0, $4  }
0x14: {  	s20 =	sadd.s32 s10, s24;
	s17 =	sadd.s32 s10, s26;
	s15 =	sadd.s32 s10, s28  }
0x15: {  	s14 =	sadd.s32 s7, s29;
	s13 =	sadd.s32 s10, s31;
	s12 =	sadd.s32 s7, s9  }
0x16: {  	s9 =	simm.s32 $0x84D0;
	s11 =	simm.s32 $0x7D0;
	s10 =	sshrl.u32 @!p0 s3, $0x3  }
0x17: {  	s16 =	sadd.s32 s7, s8;
	s7 =	simm.s32 $0x1;
	s8 =	sshrl.u32 @!p0 s1, $0x3  }
0x18: {  	s24 =	simm.s32 @!p0 $0x1C01  }
0x19: {  	[spmem:s10], [sflag:s24] =	dma.local @!p0 [hbm:s18], $0x4E20  }
0x1a: {  	_ =	swait.ge @!p0 [sflag:s6], $0x4E20  }
0x1b: {  	[sflag:s6] =	ssyncset.done @!p0 $0x0  }
0x1c: {  	[sflag:s6] =	ssyncadd.s32 @!p0 $0xFFFFB1E0  }
0x1d: {  	[spmem:s8], [sflag:s24] =	dma.local @!p0 [hbm:s18], $0x4E20  }
0x1e: {  	_ =	swait.ge @!p0 [sflag:s6], $0x4E20  }
0x1f: {  	[sflag:s6] =	ssyncset.done @!p0 $0x0  }
0x20: {  	[sflag:s6] =	ssyncadd.s32 @!p0 $0xFFFFB1E0  }
0x21: {  	[tilespmem:s9], [sflag:$0x1] =	stream.linear.gather [hbm4b:s21+s2], $0x7D00, $0x38;
	[tilespmem:$0x14FF0] =	vst v63  }
0x22: {  	_ =	swait.ge [sflag:s7], $0x7D00  }
0x23: {  	[sflag:s7] =	ssyncset.done $0x0  }
0x24: {  	[sflag:s7] =	ssyncadd.s32 $0xFFFF8300  }
0x25: {  	[bflag:$0x0] =	sbarrier.arrive $0xFFFF  }
0x26: {  	[tilespmem:s2], [sflag:$0x1] =	stream.linear.gather [hbm4b:s23+s2], $0x7D0, $0x38;
	[tilespmem:$0x14FF0] =	vst v63  }
0x27: {  	_ =	swait.ge [sflag:s7], $0x7D0  }
0x28: {  	[sflag:s7] =	ssyncset.done $0x0  }
0x29: {  	[sflag:s7] =	ssyncadd.s32 $0xFFFFF830  }
0x2a: {  	[tilespmem:s11], [sflag:$0x1] =	stream.linear.gather [hbm4b:s22+s2], $0x7D00, $0x38;
	[tilespmem:$0x14FF0] =	vst v63  }
0x2b: {  	_ =	swait.ge [sflag:s7], $0x7D00  }
0x2c: {  	[sflag:s7] =	ssyncset.done $0x0  }
0x2d: {  	[sflag:s7] =	ssyncadd.s32 $0xFFFF8300  }
0x2e: {  	[spmem:s3] =	stream.indirect.scatter.add.f32 [tilespmem:s11], [sflag:$0x1], $0x10, s2, s11, $0xb8;
	[tilespmem:$0x14FF0] =	vst v63  }
0x2f: {  	_ =	swait.ge [sflag:s7], $0x7D00  }
0x30: {  	[sflag:s7] =	ssyncset.done $0x0  }
0x31: {  	[sflag:s7] =	ssyncadd.s32 $0xFFFF8300  }
0x32: {  	[spmem:s1] =	stream.indirect.scatter.add.f32 [tilespmem:s9], [sflag:$0x1], $0x10, s2, s11, $0xb8;
	[tilespmem:$0x14FF0] =	vst v63  }
0x33: {  	_ =	swait.ge [sflag:s7], $0x7D00  }
0x34: {  	[sflag:s7] =	ssyncset.done $0x0  }
0x35: {  	[sflag:s7] =	ssyncadd.s32 $0xFFFF8300  }
0x36: {  	[tilespmem:s2], [sflag:$0x1] =	stream.linear.gather [hbm4b:s20+s2], $0x7D0, $0x38;
	[tilespmem:$0x14FF0] =	vst v63  }
0x37: {  	_ =	swait.ge [sflag:s7], $0x7D0  }
0x38: {  	[sflag:s7] =	ssyncset.done $0x0  }
0x39: {  	[sflag:s7] =	ssyncadd.s32 $0xFFFFF830  }
0x3a: {  	[tilespmem:s11], [sflag:$0x1] =	stream.linear.gather [hbm4b:s19+s2], $0x7D00, $0x38;
	[tilespmem:$0x14FF0] =	vst v63  }
0x3b: {  	_ =	swait.ge [sflag:s7], $0x7D00  }
0x3c: {  	[sflag:s7] =	ssyncset.done $0x0  }
0x3d: {  	[sflag:s7] =	ssyncadd.s32 $0xFFFF8300  }
0x3e: {  	[spmem:s3] =	stream.indirect.scatter.add.f32 [tilespmem:s11], [sflag:$0x1], $0x10, s2, s11, $0xb8;
	[tilespmem:$0x14FF0] =	vst v63  }
0x3f: {  	_ =	swait.ge [sflag:s7], $0x7D00  }
0x40: {  	[sflag:s7] =	ssyncset.done $0x0  }
0x41: {  	[sflag:s7] =	ssyncadd.s32 $0xFFFF8300  }
0x42: {  	[spmem:s1] =	stream.indirect.scatter.add.f32 [tilespmem:s9], [sflag:$0x1], $0x10, s2, s11, $0xb8;
	[tilespmem:$0x14FF0] =	vst v63  }
0x43: {  	_ =	swait.ge [sflag:s7], $0x7D00  }
0x44: {  	[sflag:s7] =	ssyncset.done $0x0  }
0x45: {  	[sflag:s7] =	ssyncadd.s32 $0xFFFF8300  }
0x46: {  	[tilespmem:s2], [sflag:$0x1] =	stream.linear.gather [hbm4b:s17+s2], $0x7D0, $0x38;
	[tilespmem:$0x14FF0] =	vst v63  }
0x47: {  	_ =	swait.ge [sflag:s7], $0x7D0  }
0x48: {  	[sflag:s7] =	ssyncset.done $0x0  }
0x49: {  	[sflag:s7] =	ssyncadd.s32 $0xFFFFF830  }
0x4a: {  	[tilespmem:s11], [sflag:$0x1] =	stream.linear.gather [hbm4b:s16+s2], $0x7D00, $0x38;
	[tilespmem:$0x14FF0] =	vst v63  }
0x4b: {  	_ =	swait.ge [sflag:s7], $0x7D00  }
0x4c: {  	[sflag:s7] =	ssyncset.done $0x0  }
0x4d: {  	[sflag:s7] =	ssyncadd.s32 $0xFFFF8300  }
0x4e: {  	[spmem:s3] =	stream.indirect.scatter.add.f32 [tilespmem:s11], [sflag:$0x1], $0x10, s2, s11, $0xb8;
	[tilespmem:$0x14FF0] =	vst v63  }
0x4f: {  	_ =	swait.ge [sflag:s7], $0x7D00  }
0x50: {  	[sflag:s7] =	ssyncset.done $0x0  }
0x51: {  	[sflag:s7] =	ssyncadd.s32 $0xFFFF8300  }
0x52: {  	[spmem:s1] =	stream.indirect.scatter.add.f32 [tilespmem:s9], [sflag:$0x1], $0x10, s2, s11, $0xb8;
	[tilespmem:$0x14FF0] =	vst v63  }
0x53: {  	_ =	swait.ge [sflag:s7], $0x7D00  }
0x54: {  	[sflag:s7] =	ssyncset.done $0x0  }
0x55: {  	[sflag:s7] =	ssyncadd.s32 $0xFFFF8300  }
0x56: {  	[tilespmem:s2], [sflag:$0x1] =	stream.linear.gather [hbm4b:s15+s2], $0x7D0, $0x38;
	[tilespmem:$0x14FF0] =	vst v63  }
0x57: {  	_ =	swait.ge [sflag:s7], $0x7D0  }
0x58: {  	[sflag:s7] =	ssyncset.done $0x0  }
0x59: {  	[sflag:s7] =	ssyncadd.s32 $0xFFFFF830  }
0x5a: {  	[tilespmem:s11], [sflag:$0x1] =	stream.linear.gather [hbm4b:s14+s2], $0x7D00, $0x38;
	[tilespmem:$0x14FF0] =	vst v63  }
0x5b: {  	_ =	swait.ge [sflag:s7], $0x7D00  }
0x5c: {  	[sflag:s7] =	ssyncset.done $0x0  }
0x5d: {  	[sflag:s7] =	ssyncadd.s32 $0xFFFF8300  }
0x5e: {  	[spmem:s3] =	stream.indirect.scatter.add.f32 [tilespmem:s11], [sflag:$0x1], $0x10, s2, s11, $0xb8;
	[tilespmem:$0x14FF0] =	vst v63  }
0x5f: {  	_ =	swait.ge [sflag:s7], $0x7D00  }
0x60: {  	[sflag:s7] =	ssyncset.done $0x0  }
0x61: {  	[sflag:s7] =	ssyncadd.s32 $0xFFFF8300  }
0x62: {  	[spmem:s1] =	stream.indirect.scatter.add.f32 [tilespmem:s9], [sflag:$0x1], $0x10, s2, s11, $0xb8;
	[tilespmem:$0x14FF0] =	vst v63  }
0x63: {  	_ =	swait.ge [sflag:s7], $0x7D00  }
0x64: {  	[sflag:s7] =	ssyncset.done $0x0  }
0x65: {  	[sflag:s7] =	ssyncadd.s32 $0xFFFF8300  }
0x66: {  	[tilespmem:s2], [sflag:$0x1] =	stream.linear.gather [hbm4b:s13+s2], $0x7D0, $0x38;
	[tilespmem:$0x14FF0] =	vst v63  }
0x67: {  	_ =	swait.ge [sflag:s7], $0x7D0  }
0x68: {  	[sflag:s7] =	ssyncset.done $0x0  }
0x69: {  	[sflag:s7] =	ssyncadd.s32 $0xFFFFF830  }
0x6a: {  	[tilespmem:s11], [sflag:$0x1] =	stream.linear.gather [hbm4b:s12+s2], $0x7D00, $0x38;
	[tilespmem:$0x14FF0] =	vst v63  }
0x6b: {  	_ =	swait.ge [sflag:s7], $0x7D00  }
0x6c: {  	[sflag:s7] =	ssyncset.done $0x0  }
0x6d: {  	[sflag:s7] =	ssyncadd.s32 $0xFFFF8300  }
0x6e: {  	[spmem:s3] =	stream.indirect.scatter.add.f32 [tilespmem:s11], [sflag:$0x1], $0x10, s2, s11, $0xb8;
	[tilespmem:$0x14FF0] =	vst v63  }
0x6f: {  	_ =	swait.ge [sflag:s7], $0x7D00  }
0x70: {  	[sflag:s7] =	ssyncset.done $0x0  }
0x71: {  	[sflag:s7] =	ssyncadd.s32 $0xFFFF8300  }
0x72: {  	[spmem:s1] =	stream.indirect.scatter.add.f32 [tilespmem:s9], [sflag:$0x1], $0x10, s2, s11, $0xb8;
	[tilespmem:$0x14FF0] =	vst v63  }
0x73: {  	_ =	swait.ge [sflag:s7], $0x7D00  }
0x74: {  	[sflag:s7] =	ssyncset.done $0x0  }
0x75: {  	[sflag:s7] =	ssyncadd.s32 $0xFFFF8300  }
0x76: {  	s25 =	sadd.s32 $0xFFFFFFFF, s25;
	[bflag:$0x0] =	sbarrier.arrive $0xFFFF  }
0x77: {  	[hbm:s5], [sflag:s24] =	dma.local @!p0 [spmem:s10], $0x4E20  }
0x78: {  	p2 =	sne.s32 s25, $0x0;
	_ =	swait.ge @!p0 [sflag:s6], $0x4E20  }
.Ltmp1:
0x79: {  	[sflag:s6] =	ssyncset.done @!p0 $0x0;
	(pc) =	sbr.rel @!p2 .LBB2_7-.Ltmp1, $4  }
0x7a: {  	[sflag:s6] =	ssyncadd.s32 @!p0 $0xFFFFB1E0  }
0x7b: {  	[hbm:s4], [sflag:s24] =	dma.local @!p0 [spmem:s8], $0x4E20  }
0x7c: {  	_ =	swait.ge @!p0 [sflag:s6], $0x4E20  }
0x7d: {  	p1 =	por $0x1, $0x1;
	s26 =	simm.s32 @!p0 $0x1;
	[sflag:s6] =	ssyncset.done @!p0 $0x0  }
0x7e: {  	s28 =	smov.u32 s10  }
.LBB2_4:
0x7f: {  	[sflag:s26] =	ssyncadd.s32 @!p0 $0xFFFFB1E0  }
0x80: {  	[spmem:s28], [sflag:s24] =	dma.local @!p0 [hbm:s18], $0x4E20  }
0x81: {  	s25 =	sadd.s32 $0xFFFFFFFF, s25;
	s26 =	smov.u32 s6;
	_ =	swait.ge @!p0 [sflag:s6], $0x4E20  }
0x82: {  	p2 =	sne.s32 s25, $0x0;
	[sflag:s26] =	ssyncset.done @!p0 $0x0  }
0x83: {  	[sflag:s26] =	ssyncadd.s32 @!p0 $0xFFFFB1E0  }
0x84: {  	[spmem:s8], [sflag:s24] =	dma.local @!p0 [hbm:s18], $0x4E20  }
0x85: {  	_ =	swait.ge @!p0 [sflag:s26], $0x4E20  }
0x86: {  	[sflag:s26] =	ssyncset.done @!p0 $0x0  }
0x87: {  	[sflag:s26] =	ssyncadd.s32 @!p0 $0xFFFFB1E0  }
0x88: {  	[tilespmem:s9], [sflag:$0x1] =	stream.linear.gather [hbm4b:s21+s2], $0x7D00, $0x38;
	[tilespmem:$0x14FF0] =	vst v63  }
0x89: {  	_ =	swait.ge [sflag:s7], $0x7D00  }
0x8a: {  	[sflag:s7] =	ssyncset.done $0x0  }
0x8b: {  	[sflag:s7] =	ssyncadd.s32 $0xFFFF8300  }
0x8c: {  	[bflag:$0x0] =	sbarrier.arrive $0xFFFF  }
0x8d: {  	[tilespmem:s2], [sflag:$0x1] =	stream.linear.gather [hbm4b:s23+s2], $0x7D0, $0x38;
	[tilespmem:$0x14FF0] =	vst v63  }
0x8e: {  	_ =	swait.ge [sflag:s7], $0x7D0  }
0x8f: {  	[sflag:s7] =	ssyncset.done $0x0  }
0x90: {  	[sflag:s7] =	ssyncadd.s32 $0xFFFFF830  }
0x91: {  	[tilespmem:s11], [sflag:$0x1] =	stream.linear.gather [hbm4b:s22+s2], $0x7D00, $0x38;
	[tilespmem:$0x14FF0] =	vst v63  }
0x92: {  	_ =	swait.ge [sflag:s7], $0x7D00  }
0x93: {  	[sflag:s7] =	ssyncset.done $0x0  }
0x94: {  	[sflag:s7] =	ssyncadd.s32 $0xFFFF8300  }
0x95: {  	[spmem:s3] =	stream.indirect.scatter.add.f32 [tilespmem:s11], [sflag:$0x1], $0x10, s2, s11, $0xb8;
	[tilespmem:$0x14FF0] =	vst v63  }
0x96: {  	_ =	swait.ge [sflag:s7], $0x7D00  }
0x97: {  	[sflag:s7] =	ssyncset.done $0x0  }
0x98: {  	[sflag:s7] =	ssyncadd.s32 $0xFFFF8300  }
0x99: {  	[spmem:s1] =	stream.indirect.scatter.add.f32 [tilespmem:s9], [sflag:$0x1], $0x10, s2, s11, $0xb8;
	[tilespmem:$0x14FF0] =	vst v63  }
0x9a: {  	_ =	swait.ge [sflag:s7], $0x7D00  }
0x9b: {  	[sflag:s7] =	ssyncset.done $0x0  }
0x9c: {  	[sflag:s7] =	ssyncadd.s32 $0xFFFF8300  }
0x9d: {  	[tilespmem:s2], [sflag:$0x1] =	stream.linear.gather [hbm4b:s20+s2], $0x7D0, $0x38;
	[tilespmem:$0x14FF0] =	vst v63  }
0x9e: {  	_ =	swait.ge [sflag:s7], $0x7D0  }
0x9f: {  	[sflag:s7] =	ssyncset.done $0x0  }
0xa0: {  	[sflag:s7] =	ssyncadd.s32 $0xFFFFF830  }
0xa1: {  	[tilespmem:s11], [sflag:$0x1] =	stream.linear.gather [hbm4b:s19+s2], $0x7D00, $0x38;
	[tilespmem:$0x14FF0] =	vst v63  }
0xa2: {  	_ =	swait.ge [sflag:s7], $0x7D00  }
0xa3: {  	[sflag:s7] =	ssyncset.done $0x0  }
0xa4: {  	[sflag:s7] =	ssyncadd.s32 $0xFFFF8300  }
0xa5: {  	[spmem:s3] =	stream.indirect.scatter.add.f32 [tilespmem:s11], [sflag:$0x1], $0x10, s2, s11, $0xb8;
	[tilespmem:$0x14FF0] =	vst v63  }
0xa6: {  	_ =	swait.ge [sflag:s7], $0x7D00  }
0xa7: {  	[sflag:s7] =	ssyncset.done $0x0  }
0xa8: {  	[sflag:s7] =	ssyncadd.s32 $0xFFFF8300  }
0xa9: {  	[spmem:s1] =	stream.indirect.scatter.add.f32 [tilespmem:s9], [sflag:$0x1], $0x10, s2, s11, $0xb8;
	[tilespmem:$0x14FF0] =	vst v63  }
0xaa: {  	_ =	swait.ge [sflag:s7], $0x7D00  }
0xab: {  	[sflag:s7] =	ssyncset.done $0x0  }
0xac: {  	[sflag:s7] =	ssyncadd.s32 $0xFFFF8300  }
0xad: {  	[tilespmem:s2], [sflag:$0x1] =	stream.linear.gather [hbm4b:s17+s2], $0x7D0, $0x38;
	[tilespmem:$0x14FF0] =	vst v63  }
0xae: {  	_ =	swait.ge [sflag:s7], $0x7D0  }
0xaf: {  	[sflag:s7] =	ssyncset.done $0x0  }
0xb0: {  	[sflag:s7] =	ssyncadd.s32 $0xFFFFF830  }
0xb1: {  	[tilespmem:s11], [sflag:$0x1] =	stream.linear.gather [hbm4b:s16+s2], $0x7D00, $0x38;
	[tilespmem:$0x14FF0] =	vst v63  }
0xb2: {  	_ =	swait.ge [sflag:s7], $0x7D00  }
0xb3: {  	[sflag:s7] =	ssyncset.done $0x0  }
0xb4: {  	[sflag:s7] =	ssyncadd.s32 $0xFFFF8300  }
0xb5: {  	[spmem:s3] =	stream.indirect.scatter.add.f32 [tilespmem:s11], [sflag:$0x1], $0x10, s2, s11, $0xb8;
	[tilespmem:$0x14FF0] =	vst v63  }
0xb6: {  	_ =	swait.ge [sflag:s7], $0x7D00  }
0xb7: {  	[sflag:s7] =	ssyncset.done $0x0  }
0xb8: {  	[sflag:s7] =	ssyncadd.s32 $0xFFFF8300  }
0xb9: {  	[spmem:s1] =	stream.indirect.scatter.add.f32 [tilespmem:s9], [sflag:$0x1], $0x10, s2, s11, $0xb8;
	[tilespmem:$0x14FF0] =	vst v63  }
0xba: {  	_ =	swait.ge [sflag:s7], $0x7D00  }
0xbb: {  	[sflag:s7] =	ssyncset.done $0x0  }
0xbc: {  	[sflag:s7] =	ssyncadd.s32 $0xFFFF8300  }
0xbd: {  	[tilespmem:s2], [sflag:$0x1] =	stream.linear.gather [hbm4b:s15+s2], $0x7D0, $0x38;
	[tilespmem:$0x14FF0] =	vst v63  }
0xbe: {  	_ =	swait.ge [sflag:s7], $0x7D0  }
0xbf: {  	[sflag:s7] =	ssyncset.done $0x0  }
0xc0: {  	[sflag:s7] =	ssyncadd.s32 $0xFFFFF830  }
0xc1: {  	[tilespmem:s11], [sflag:$0x1] =	stream.linear.gather [hbm4b:s14+s2], $0x7D00, $0x38;
	[tilespmem:$0x14FF0] =	vst v63  }
0xc2: {  	_ =	swait.ge [sflag:s7], $0x7D00  }
0xc3: {  	[sflag:s7] =	ssyncset.done $0x0  }
0xc4: {  	[sflag:s7] =	ssyncadd.s32 $0xFFFF8300  }
0xc5: {  	[spmem:s3] =	stream.indirect.scatter.add.f32 [tilespmem:s11], [sflag:$0x1], $0x10, s2, s11, $0xb8;
	[tilespmem:$0x14FF0] =	vst v63  }
0xc6: {  	_ =	swait.ge [sflag:s7], $0x7D00  }
0xc7: {  	[sflag:s7] =	ssyncset.done $0x0  }
0xc8: {  	[sflag:s7] =	ssyncadd.s32 $0xFFFF8300  }
0xc9: {  	[spmem:s1] =	stream.indirect.scatter.add.f32 [tilespmem:s9], [sflag:$0x1], $0x10, s2, s11, $0xb8;
	[tilespmem:$0x14FF0] =	vst v63  }
0xca: {  	_ =	swait.ge [sflag:s7], $0x7D00  }
0xcb: {  	[sflag:s7] =	ssyncset.done $0x0  }
0xcc: {  	[sflag:s7] =	ssyncadd.s32 $0xFFFF8300  }
0xcd: {  	[tilespmem:s2], [sflag:$0x1] =	stream.linear.gather [hbm4b:s13+s2], $0x7D0, $0x38;
	[tilespmem:$0x14FF0] =	vst v63  }
0xce: {  	_ =	swait.ge [sflag:s7], $0x7D0  }
0xcf: {  	[sflag:s7] =	ssyncset.done $0x0  }
0xd0: {  	[sflag:s7] =	ssyncadd.s32 $0xFFFFF830  }
0xd1: {  	[tilespmem:s11], [sflag:$0x1] =	stream.linear.gather [hbm4b:s12+s2], $0x7D00, $0x38;
	[tilespmem:$0x14FF0] =	vst v63  }
0xd2: {  	_ =	swait.ge [sflag:s7], $0x7D00  }
0xd3: {  	[sflag:s7] =	ssyncset.done $0x0  }
0xd4: {  	[sflag:s7] =	ssyncadd.s32 $0xFFFF8300  }
0xd5: {  	[spmem:s3] =	stream.indirect.scatter.add.f32 [tilespmem:s11], [sflag:$0x1], $0x10, s2, s11, $0xb8;
	[tilespmem:$0x14FF0] =	vst v63  }
0xd6: {  	_ =	swait.ge [sflag:s7], $0x7D00  }
0xd7: {  	[sflag:s7] =	ssyncset.done $0x0  }
0xd8: {  	[sflag:s7] =	ssyncadd.s32 $0xFFFF8300  }
0xd9: {  	[spmem:s1] =	stream.indirect.scatter.add.f32 [tilespmem:s9], [sflag:$0x1], $0x10, s2, s11, $0xb8;
	[tilespmem:$0x14FF0] =	vst v63  }
0xda: {  	_ =	swait.ge [sflag:s7], $0x7D00  }
0xdb: {  	[sflag:s7] =	ssyncset.done $0x0  }
0xdc: {  	[sflag:s7] =	ssyncadd.s32 $0xFFFF8300  }
0xdd: {  	[bflag:$0x0] =	sbarrier.arrive $0xFFFF  }
0xde: {  	[hbm:s5], [sflag:s24] =	dma.local @!p0 [spmem:s28], $0x4E20  }
0xdf: {  	s28 =	smov.u32 s10;
	_ =	swait.ge @!p0 [sflag:s26], $0x4E20  }
.Ltmp2:
0xe0: {  	[sflag:s26] =	ssyncset.done @!p0 $0x0;
	(pc) =	sbr.rel @p2 .LBB2_4-.Ltmp2, $4  }
0xe1: {  	[sflag:s26] =	ssyncadd.s32 @!p0 $0xFFFFB1E0  }
0xe2: {  	[hbm:s4], [sflag:s24] =	dma.local @!p0 [spmem:s8], $0x4E20  }
0xe3: {  	_ =	swait.ge @!p0 [sflag:s26], $0x4E20  }
0xe4: {  	[sflag:s26] =	ssyncset.done @!p0 $0x0  }
0xe5: {  	s10 =	smov.u32 s28  }
.LBB2_6:
0xe6: {  	p1 =	por p0, !p1  }
0xe7: {  	s24 =	simm.s32 @!p0 $0x1C01;
	[sflag:s26] =	ssyncadd.s32 @!p1 $0xFFFFB1E0  }
0xe8: {  	[spmem:s10], [sflag:s24] =	dma.local @!p0 [hbm:s18], $0x4E20  }
0xe9: {  	_ =	swait.ge @!p0 [sflag:s6], $0x4E20  }
0xea: {  	[sflag:s6] =	ssyncset.done @!p0 $0x0  }
0xeb: {  	[sflag:s6] =	ssyncadd.s32 @!p0 $0xFFFFB1E0  }
0xec: {  	[spmem:s8], [sflag:s24] =	dma.local @!p0 [hbm:s18], $0x4E20  }
0xed: {  	_ =	swait.ge @!p0 [sflag:s6], $0x4E20  }
0xee: {  	[sflag:s6] =	ssyncset.done @!p0 $0x0  }
0xef: {  	[sflag:s6] =	ssyncadd.s32 @!p0 $0xFFFFB1E0  }
0xf0: {  	[tilespmem:s9], [sflag:$0x1] =	stream.linear.gather [hbm4b:s21+s2], $0x7D00, $0x38;
	[tilespmem:$0x14FF0] =	vst v63  }
0xf1: {  	_ =	swait.ge [sflag:s7], $0x7D00  }
0xf2: {  	[sflag:s7] =	ssyncset.done $0x0  }
0xf3: {  	[sflag:s7] =	ssyncadd.s32 $0xFFFF8300  }
0xf4: {  	[bflag:$0x0] =	sbarrier.arrive $0xFFFF  }
0xf5: {  	[tilespmem:s2], [sflag:$0x1] =	stream.linear.gather [hbm4b:s23+s2], $0x7D0, $0x38;
	[tilespmem:$0x14FF0] =	vst v63  }
0xf6: {  	_ =	swait.ge [sflag:s7], $0x7D0  }
0xf7: {  	[sflag:s7] =	ssyncset.done $0x0  }
0xf8: {  	[sflag:s7] =	ssyncadd.s32 $0xFFFFF830  }
0xf9: {  	[tilespmem:s11], [sflag:$0x1] =	stream.linear.gather [hbm4b:s22+s2], $0x7D00, $0x38;
	[tilespmem:$0x14FF0] =	vst v63  }
0xfa: {  	_ =	swait.ge [sflag:s7], $0x7D00  }
0xfb: {  	[sflag:s7] =	ssyncset.done $0x0  }
0xfc: {  	[sflag:s7] =	ssyncadd.s32 $0xFFFF8300  }
0xfd: {  	[spmem:s3] =	stream.indirect.scatter.add.f32 [tilespmem:s11], [sflag:$0x1], $0x10, s2, s11, $0xb8;
	[tilespmem:$0x14FF0] =	vst v63  }
0xfe: {  	_ =	swait.ge [sflag:s7], $0x7D00  }
0xff: {  	[sflag:s7] =	ssyncset.done $0x0  }
0x100: {  	[sflag:s7] =	ssyncadd.s32 $0xFFFF8300  }
0x101: {  	[spmem:s1] =	stream.indirect.scatter.add.f32 [tilespmem:s9], [sflag:$0x1], $0x10, s2, s11, $0xb8;
	[tilespmem:$0x14FF0] =	vst v63  }
0x102: {  	_ =	swait.ge [sflag:s7], $0x7D00  }
0x103: {  	[sflag:s7] =	ssyncset.done $0x0  }
0x104: {  	[sflag:s7] =	ssyncadd.s32 $0xFFFF8300  }
0x105: {  	[tilespmem:s2], [sflag:$0x1] =	stream.linear.gather [hbm4b:s20+s2], $0x7D0, $0x38;
	[tilespmem:$0x14FF0] =	vst v63  }
0x106: {  	_ =	swait.ge [sflag:s7], $0x7D0  }
0x107: {  	[sflag:s7] =	ssyncset.done $0x0  }
0x108: {  	[sflag:s7] =	ssyncadd.s32 $0xFFFFF830  }
0x109: {  	[tilespmem:s11], [sflag:$0x1] =	stream.linear.gather [hbm4b:s19+s2], $0x7D00, $0x38;
	[tilespmem:$0x14FF0] =	vst v63  }
0x10a: {  	_ =	swait.ge [sflag:s7], $0x7D00  }
0x10b: {  	[sflag:s7] =	ssyncset.done $0x0  }
0x10c: {  	[sflag:s7] =	ssyncadd.s32 $0xFFFF8300  }
0x10d: {  	[spmem:s3] =	stream.indirect.scatter.add.f32 [tilespmem:s11], [sflag:$0x1], $0x10, s2, s11, $0xb8;
	[tilespmem:$0x14FF0] =	vst v63  }
0x10e: {  	_ =	swait.ge [sflag:s7], $0x7D00  }
0x10f: {  	[sflag:s7] =	ssyncset.done $0x0  }
0x110: {  	[sflag:s7] =	ssyncadd.s32 $0xFFFF8300  }
0x111: {  	[spmem:s1] =	stream.indirect.scatter.add.f32 [tilespmem:s9], [sflag:$0x1], $0x10, s2, s11, $0xb8;
	[tilespmem:$0x14FF0] =	vst v63  }
0x112: {  	_ =	swait.ge [sflag:s7], $0x7D00  }
0x113: {  	[sflag:s7] =	ssyncset.done $0x0  }
0x114: {  	[sflag:s7] =	ssyncadd.s32 $0xFFFF8300  }
0x115: {  	[tilespmem:s2], [sflag:$0x1] =	stream.linear.gather [hbm4b:s17+s2], $0x7D0, $0x38;
	[tilespmem:$0x14FF0] =	vst v63  }
0x116: {  	_ =	swait.ge [sflag:s7], $0x7D0  }
0x117: {  	[sflag:s7] =	ssyncset.done $0x0  }
0x118: {  	[sflag:s7] =	ssyncadd.s32 $0xFFFFF830  }
0x119: {  	[tilespmem:s11], [sflag:$0x1] =	stream.linear.gather [hbm4b:s16+s2], $0x7D00, $0x38;
	[tilespmem:$0x14FF0] =	vst v63  }
0x11a: {  	_ =	swait.ge [sflag:s7], $0x7D00  }
0x11b: {  	[sflag:s7] =	ssyncset.done $0x0  }
0x11c: {  	[sflag:s7] =	ssyncadd.s32 $0xFFFF8300  }
0x11d: {  	[spmem:s3] =	stream.indirect.scatter.add.f32 [tilespmem:s11], [sflag:$0x1], $0x10, s2, s11, $0xb8;
	[tilespmem:$0x14FF0] =	vst v63  }
0x11e: {  	_ =	swait.ge [sflag:s7], $0x7D00  }
0x11f: {  	[sflag:s7] =	ssyncset.done $0x0  }
0x120: {  	[sflag:s7] =	ssyncadd.s32 $0xFFFF8300  }
0x121: {  	[spmem:s1] =	stream.indirect.scatter.add.f32 [tilespmem:s9], [sflag:$0x1], $0x10, s2, s11, $0xb8;
	[tilespmem:$0x14FF0] =	vst v63  }
0x122: {  	_ =	swait.ge [sflag:s7], $0x7D00  }
0x123: {  	[sflag:s7] =	ssyncset.done $0x0  }
0x124: {  	[sflag:s7] =	ssyncadd.s32 $0xFFFF8300  }
0x125: {  	[tilespmem:s2], [sflag:$0x1] =	stream.linear.gather [hbm4b:s15+s2], $0x7D0, $0x38;
	[tilespmem:$0x14FF0] =	vst v63  }
0x126: {  	_ =	swait.ge [sflag:s7], $0x7D0  }
0x127: {  	[sflag:s7] =	ssyncset.done $0x0  }
0x128: {  	[sflag:s7] =	ssyncadd.s32 $0xFFFFF830  }
0x129: {  	[tilespmem:s11], [sflag:$0x1] =	stream.linear.gather [hbm4b:s14+s2], $0x7D00, $0x38;
	[tilespmem:$0x14FF0] =	vst v63  }
0x12a: {  	_ =	swait.ge [sflag:s7], $0x7D00  }
0x12b: {  	[sflag:s7] =	ssyncset.done $0x0  }
0x12c: {  	[sflag:s7] =	ssyncadd.s32 $0xFFFF8300  }
0x12d: {  	[spmem:s3] =	stream.indirect.scatter.add.f32 [tilespmem:s11], [sflag:$0x1], $0x10, s2, s11, $0xb8;
	[tilespmem:$0x14FF0] =	vst v63  }
0x12e: {  	_ =	swait.ge [sflag:s7], $0x7D00  }
0x12f: {  	[sflag:s7] =	ssyncset.done $0x0  }
0x130: {  	[sflag:s7] =	ssyncadd.s32 $0xFFFF8300  }
0x131: {  	[spmem:s1] =	stream.indirect.scatter.add.f32 [tilespmem:s9], [sflag:$0x1], $0x10, s2, s11, $0xb8;
	[tilespmem:$0x14FF0] =	vst v63  }
0x132: {  	_ =	swait.ge [sflag:s7], $0x7D00  }
0x133: {  	[sflag:s7] =	ssyncset.done $0x0  }
0x134: {  	[sflag:s7] =	ssyncadd.s32 $0xFFFF8300  }
0x135: {  	[tilespmem:s2], [sflag:$0x1] =	stream.linear.gather [hbm4b:s13+s2], $0x7D0, $0x38;
	[tilespmem:$0x14FF0] =	vst v63  }
0x136: {  	_ =	swait.ge [sflag:s7], $0x7D0  }
0x137: {  	[sflag:s7] =	ssyncset.done $0x0  }
0x138: {  	[sflag:s7] =	ssyncadd.s32 $0xFFFFF830  }
0x139: {  	[tilespmem:s11], [sflag:$0x1] =	stream.linear.gather [hbm4b:s12+s2], $0x7D00, $0x38;
	[tilespmem:$0x14FF0] =	vst v63  }
0x13a: {  	_ =	swait.ge [sflag:s7], $0x7D00  }
0x13b: {  	[sflag:s7] =	ssyncset.done $0x0  }
0x13c: {  	[sflag:s7] =	ssyncadd.s32 $0xFFFF8300  }
0x13d: {  	[spmem:s3] =	stream.indirect.scatter.add.f32 [tilespmem:s11], [sflag:$0x1], $0x10, s2, s11, $0xb8;
	[tilespmem:$0x14FF0] =	vst v63  }
0x13e: {  	_ =	swait.ge [sflag:s7], $0x7D00  }
0x13f: {  	[sflag:s7] =	ssyncset.done $0x0  }
0x140: {  	[sflag:s7] =	ssyncadd.s32 $0xFFFF8300  }
0x141: {  	[spmem:s1] =	stream.indirect.scatter.add.f32 [tilespmem:s9], [sflag:$0x1], $0x10, s2, s11, $0xb8;
	[tilespmem:$0x14FF0] =	vst v63  }
0x142: {  	_ =	swait.ge [sflag:s7], $0x7D00  }
0x143: {  	[sflag:s7] =	ssyncset.done $0x0  }
0x144: {  	[sflag:s7] =	ssyncadd.s32 $0xFFFF8300  }
0x145: {  	[bflag:$0x0] =	sbarrier.arrive $0xFFFF  }
0x146: {  	[hbm:s5], [sflag:s24] =	dma.local @!p0 [spmem:s10], $0x4E20  }
0x147: {  	_ =	swait.ge @!p0 [sflag:s6], $0x4E20  }
0x148: {  	[sflag:s6] =	ssyncset.done @!p0 $0x0  }
0x149: {  	[sflag:s6] =	ssyncadd.s32 @!p0 $0xFFFFB1E0  }
0x14a: {  	[hbm:s4], [sflag:s24] =	dma.local @!p0 [spmem:s8], $0x4E20  }
0x14b: {  	_ =	swait.ge @!p0 [sflag:s6], $0x4E20  }
0x14c: {  	[sflag:s6] =	ssyncset.done @!p0 $0x0  }
0x14d: {  	[sflag:s6] =	ssyncadd.s32 @!p0 $0xFFFFB1E0  }
0x14e: {  	_ =	sfence.sel $0x180000  }
0x14f: {  	[bflag:$0x0] =	sbarrier.arrive $0xFFFF  }
0x150: {  	_ =	strace $0x9000004A  }
0x151: {  	s0 =	sadd.s32 @!p0 $0x100000, s0;
	[bflag:$0x2] =	sbarrier.arrive $0xFFFF  }
0x152: {  	[sflag:s0] =	ssyncadd.tile.s32 @!p0 $0x1;
	_ =	shalt  }
.LBB2_1:
.Ltmp3:
0x153: {  	(pc) =	sbr.rel .LBB2_6-.Ltmp3, $2  }
0x154: {  	_ =	sdelay $0x2  }
0x155: {  	_ = 	snop  }
.LBB2_7:
.Ltmp4:
0x156: {  	(pc) =	sbr.rel .LBB2_6-.Ltmp4, $2  }
0x157: {  	_ =	sdelay $0x2  }
0x158: {  	s26 =	simm.s32 @!p0 $0x1  }
.Lfunc_end2:
_tile_overlayer_lowered:
.L_overlay_start_2:
0x159: {  	(tag) =	ssettag $0x2  }
0x15a: {  	s0 =	rddreg [dreg:$0x0];
	s2 =	stileid.u32  }
0x15b: {  	s1 =	rddreg [dreg:$0x1];
	p0 =	sne.s32 s2, $0x0  }
0x15c: {  	s3 =	rddreg [dreg:$0x2];
	[bflag:$0x3] =	sbarrier.arrive $0xFFFF;
	s2 =	simm.s32 @!p0 $0x1C01  }
0x15d: {  	[timem:s3], [sflag:s2] =	dma.local @!p0 [hbm:s0], s1  }
0x15e: {  	s0 =	simm.s32 @!p0 $0x1  }
0x15f: {  	_ =	swait.ge @!p0 [sflag:s0], s1  }
0x160: {  	s1 =	ssub.s32 @!p0 $0x0, s1;
	[sflag:s0] =	ssyncset.done @!p0 $0x0  }
0x161: {  	[sflag:s0] =	ssyncadd.s32 @!p0 s1  }
0x162: {  	[bflag:$0x3] =	sbarrier.arrive $0xFFFF  }
0x163: {  	_ =	shalt  }

</sc_bundles>
